<compile_context>
chip_gen: v7x
topology: tpu7x:2x2x1
jax: 0.10.2.dev20260603
libtpu: 0.0.44.dev20260713+nightly
codegen_flags: <defaults>
</compile_context>

<pallas_src>
import functools

import jax
import jax.numpy as jnp
from jax import lax
from jax.experimental import pallas as pl
from jax.experimental.pallas import tpu as pltpu
from jax.experimental.pallas import tpu_sc as plsc

B = 16384
VOCAB = 100000
EMB = 64
EPS = 1e-3
NC, NS = 2, 16
NW = NC * NS
BPW = B // NW
CHUNK = 128
NCHUNK = BPW // CHUNK
NROW = B // CHUNK
TCBLK = 2048
NBLK = B // TCBLK
RPB = TCBLK // CHUNK
NBIN = 96
TBLK = 16384
TGRID = (VOCAB + TBLK - 1) // TBLK


def _transpose_pad_kernel(embT_ref, gm_ref, grm_ref, cm_ref, out_ref, code_ref):
    ident = (lax.broadcasted_iota(jnp.int32, (EMB, 128), 0)
             == lax.broadcasted_iota(jnp.int32, (EMB, 128), 1)
             ).astype(jnp.float32)
    out_ref[...] = lax.dot_general(
        embT_ref[...], ident, (((0,), (0,)), ((), ())),
        preferred_element_type=jnp.float32)
    code_ref[...] = (gm_ref[...] | (grm_ref[...] << 5) | (cm_ref[...] << 10))


def _transpose_pad(embT, group_map, graph_map, colour_map):
    return pl.pallas_call(
        _transpose_pad_kernel,
        grid=(TGRID,),
        in_specs=[pl.BlockSpec((EMB, TBLK), lambda i: (0, i)),
                  pl.BlockSpec((TBLK,), lambda i: (i,)),
                  pl.BlockSpec((TBLK,), lambda i: (i,)),
                  pl.BlockSpec((TBLK,), lambda i: (i,))],
        out_specs=[pl.BlockSpec((TBLK, 128), lambda i: (i, 0)),
                   pl.BlockSpec((TBLK,), lambda i: (i,))],
        out_shape=[jax.ShapeDtypeStruct((VOCAB, 128), jnp.float32),
                   jax.ShapeDtypeStruct((VOCAB,), jnp.int32)],
    )(embT, group_map, graph_map, colour_map)


def _sc_gather(emb128, code, idx3):
    mesh = plsc.VectorSubcoreMesh(core_axis_name="c", subcore_axis_name="s")

    @functools.partial(
        pl.kernel,
        mesh=mesh,
        out_type=(
            jax.ShapeDtypeStruct((B, 128), jnp.float32),
            jax.ShapeDtypeStruct((NROW, CHUNK), jnp.int32),
        ),
        scratch_types=[
            pltpu.VMEM((NCHUNK, CHUNK), jnp.int32),
            pltpu.VMEM((BPW, 128), jnp.float32),
            pltpu.VMEM((NCHUNK, CHUNK), jnp.int32),
            pltpu.SemaphoreType.DMA,
        ],
    )
    def k(emb_hbm, code_hbm, idx_hbm, x_out, cats_out, idx_v, rows_v, val_v, sem):
        wid = lax.axis_index("s") * NC + lax.axis_index("c")
        pltpu.sync_copy(idx_hbm.at[wid], idx_v)
        copies = []
        for j in range(NCHUNK):
            copies.append(pltpu.async_copy(
                emb_hbm.at[idx_v.at[j]], rows_v.at[pl.ds(j * CHUNK, CHUNK)], sem))
            copies.append(pltpu.async_copy(
                code_hbm.at[idx_v.at[j]], val_v.at[j], sem))
        for c in copies:
            c.wait()
        pltpu.sync_copy(rows_v, x_out.at[pl.ds(wid * BPW, BPW)])
        pltpu.sync_copy(val_v, cats_out.at[pl.ds(wid * NCHUNK, NCHUNK)])

    return k(emb128, code, idx3)


def _onehot_t(crows):
    u = lax.broadcasted_iota(jnp.int32, (NBIN, 1, 1), 0)
    shift = jnp.where(u < 32, 0, jnp.where(u < 64, 5, 10))
    binval = u % 32
    val = lax.shift_right_logical(crows[None, :, :], shift) & 31
    ohf = jnp.where(val == binval, jnp.float32(1), jnp.float32(0))
    return ohf.astype(jnp.bfloat16)


def _fdot(a, b):
    return jnp.dot(a, b, preferred_element_type=jnp.float32)


def _tdot(a, b):
    return lax.dot_general(a, b, (((0,), (0,)), ((), ())),
                           preferred_element_type=jnp.float32)


def _tc_kernel(x_ref, cats_ref, gtT_ref, grtT_ref, ctT_ref, w_ref,
               gamma_ref, beta_ref,
               out_ref, gw_ref, bias_ref, w1b_ref):
    i = pl.program_id(0)
    binv = jnp.float32(1.0 / B)

    @pl.when(i == 0)
    def _():
        onesb = jnp.ones((1, TCBLK), jnp.bfloat16)
        acc_s = jnp.zeros((1, 128), jnp.float32)
        acc_q = jnp.zeros((1, 128), jnp.float32)
        ohacc = jnp.zeros((NBIN, CHUNK), jnp.float32)
        for k in range(NBLK):
            xc = x_ref[k * TCBLK:(k + 1) * TCBLK, :].astype(jnp.bfloat16)
            acc_s += _fdot(onesb, xc)
            acc_q += _fdot(onesb, xc * xc)
            oh3 = _onehot_t(cats_ref[k * RPB:(k + 1) * RPB, :])
            for c in range(RPB):
                ohacc += oh3[:, c, :].astype(jnp.float32)
        cnt_col = jnp.sum(ohacc, axis=1, keepdims=True)
        g1 = gamma_ref[0:EMB].reshape(1, EMB)
        b1 = beta_ref[0:EMB].reshape(1, EMB)
        mean1 = acc_s[:, 0:EMB] * binv
        var1 = acc_q[:, 0:EMB] * binv - mean1 * mean1
        s1 = g1 * lax.rsqrt(var1 + EPS)
        w1 = w_ref[0:EMB, :]
        w1b_ref[0:EMB, :] = (w1 * jnp.transpose(s1)).astype(jnp.bfloat16)
        w1b_ref[EMB:128, :] = jnp.zeros((128 - EMB, 128), jnp.bfloat16)
        gw_ref[...] = jnp.zeros((NBIN, 128), jnp.bfloat16)
        bias = _fdot(b1 - mean1 * s1, w1)
        for off, tT_ref, nc, wlo, whi in (
                (0, gtT_ref, 20, 64, 74),
                (32, grtT_ref, 31, 74, 89),
                (64, ctT_ref, 21, 89, 99)):
            tT = tT_ref[...]
            wp = w_ref[wlo:whi, :]
            nf = whi - wlo
            g = jnp.transpose(gamma_ref[wlo:whi].reshape(1, nf))
            b = jnp.transpose(beta_ref[wlo:whi].reshape(1, nf))
            cnt = cnt_col[off:off + nc, :]
            mean = _fdot(tT, cnt) * binv
            ex2 = _fdot(tT * tT, cnt) * binv
            var = ex2 - mean * mean
            s = g * lax.rsqrt(var + EPS)
            gw_ref[off:off + nc, :] = _tdot(tT * s, wp).astype(jnp.bfloat16)
            bias += _tdot(b - mean * s, wp)
        bias_ref[...] = bias

    x = x_ref[pl.ds(i * TCBLK, TCBLK), :].astype(jnp.bfloat16)
    base = _fdot(x, w1b_ref[...]) + bias_ref[...]
    oh3 = _onehot_t(cats_ref[pl.ds(i * RPB, RPB), :])
    gw = gw_ref[...]
    for c in range(RPB):
        out_ref[c * CHUNK:(c + 1) * CHUNK, :] = (
            base[c * CHUNK:(c + 1) * CHUNK, :] + _tdot(oh3[:, c, :], gw))


def _tc_fuse(x, cats2, gtT, grtT, ctT, W, gamma, beta):
    full = lambda shape: pl.BlockSpec(shape, lambda i: tuple(0 for _ in shape))
    return pl.pallas_call(
        _tc_kernel,
        grid=(NBLK,),
        in_specs=[full((B, 128)), full((NROW, CHUNK)),
                  full((10, 20)), full((15, 31)), full((10, 21)),
                  full((99, 128)), full((99,)), full((99,))],
        out_specs=pl.BlockSpec((TCBLK, 128), lambda i: (i, 0)),
        out_shape=jax.ShapeDtypeStruct((B, 128), jnp.float32),
        scratch_shapes=[
            pltpu.VMEM((NBIN, 128), jnp.bfloat16),
            pltpu.VMEM((1, 128), jnp.float32),
            pltpu.VMEM((128, 128), jnp.bfloat16),
        ],
    )(x, cats2, gtT, grtT, ctT, W, gamma, beta)


def kernel(article_id, group_map, graph_map, colour_map,
           emb_table, group_table, graph_table, colour_table,
           gamma, beta, W):
    emb128, code = _transpose_pad(emb_table.T, group_map, graph_map, colour_map)
    idx3 = article_id.reshape(NW, NCHUNK, CHUNK)

    x, cats2 = _sc_gather(emb128, code, idx3)

    return _tc_fuse(x, cats2, group_table.T, graph_table.T, colour_table.T,
                    W, gamma, beta)

# --- scband reference (transcript-rebuilt; emitter-appended) ---
"""Pipeline reference for scband-article-model-5196910428209 (READ-ONLY COPY).

The authoritative reference and input builder live on the scoring server;
editing this copy changes nothing except your own understanding.
"""

import jax, jax.numpy as jnp
import numpy as np

B = 16384
VOCAB = 100000
EMB = 64
GDIM = 20      # product_group_name_dim -> Embedding(20, 10)
GRDIM = 30     # graphical_appearance_name_dim -> Embedding(31, 15)
CDIM = 20      # perceived_colour_master_name_dim -> Embedding(21, 10)
CAT = EMB + GDIM // 2 + GRDIM // 2 + CDIM // 2  # 64 + 10 + 15 + 10 = 99
FACTOR = 128
EPS = 1e-3  # keras BatchNormalization default epsilon


def setup_inputs(seed: int = 0) -> dict:
    key = jax.random.key(seed)
    ks = jax.random.split(key, 11)
    article_id = jax.random.randint(ks[0], (B,), 0, VOCAB, dtype=jnp.int32)
    # StaticHashTable + StringLookup pipelines collapse to integer maps article_id -> category index
    group_map = jax.random.randint(ks[1], (VOCAB,), 0, GDIM, dtype=jnp.int32)
    graph_map = jax.random.randint(ks[2], (VOCAB,), 0, GRDIM + 1, dtype=jnp.int32)
    colour_map = jax.random.randint(ks[3], (VOCAB,), 0, CDIM + 1, dtype=jnp.int32)
    emb_table = jax.random.normal(ks[4], (VOCAB, EMB), dtype=jnp.float32) * 0.05
    group_table = jax.random.normal(ks[5], (GDIM, GDIM // 2), dtype=jnp.float32) * 0.05
    graph_table = jax.random.normal(ks[6], (GRDIM + 1, GRDIM // 2), dtype=jnp.float32) * 0.05
    colour_table = jax.random.normal(ks[7], (CDIM + 1, CDIM // 2), dtype=jnp.float32) * 0.05
    gamma = jnp.ones((CAT,), dtype=jnp.float32)
    beta = jnp.zeros((CAT,), dtype=jnp.float32)
    W = jax.random.normal(ks[8], (CAT, FACTOR), dtype=jnp.float32) * (1.0 / np.sqrt(CAT))
    return {
        "article_id": article_id,
        "group_map": group_map,
        "graph_map": graph_map,
        "colour_map": colour_map,
        "emb_table": emb_table,
        "group_table": group_table,
        "graph_table": graph_table,
        "colour_table": colour_table,
        "gamma": gamma,
        "beta": beta,
        "W": W,
    }


def reference(article_id, group_map, graph_map, colour_map,
              emb_table, group_table, graph_table, colour_table,
              gamma, beta, W):
    # article_id_lookup + Embedding
    x = jnp.take(emb_table, article_id, axis=0)                      # [B, 64]
    # hashtable lookup (article -> category id) + StringLookup + Embedding
    xgroup = jnp.take(group_table, jnp.take(group_map, article_id), axis=0)    # [B, 10]
    xgraph = jnp.take(graph_table, jnp.take(graph_map, article_id), axis=0)    # [B, 15]
    xcolour = jnp.take(colour_table, jnp.take(colour_map, article_id), axis=0)  # [B, 10]
    h = jnp.concatenate([x, xgroup, xgraph, xcolour], axis=-1)       # [B, 99]
    # flatten is identity for rank-2
    # BatchNormalization (training-mode batch statistics)
    mean = jnp.mean(h, axis=0, keepdims=True)
    var = jnp.var(h, axis=0, keepdims=True)
    hn = (h - mean) * jax.lax.rsqrt(var + EPS)
    hn = hn * gamma + beta
    # dense0: linear, no bias
    out = hn @ W                                                     # [B, 128]
    return out

if __name__ == "__main__":
    import jax
    _d = setup_inputs()
    print(jax.jit(kernel)(*tuple(_d.values())))

</pallas_src>

<mosaic_0001>
#map = affine_map<(d0, d1) -> (0, 0)>
#map1 = affine_map<(d0, d1) -> (0)>
#map2 = affine_map<(d0, d1) -> (0, 0, 0)>
module attributes {stable_mosaic.version = 14 : i64} {
  func.func @k(%arg0: i32, %arg1: i32, %arg2: memref<100000x128xf32, #tpu.memory_space<hbm>>, %arg3: memref<100000xi32, #tpu.memory_space<hbm>>, %arg4: memref<32x4x128xi32, #tpu.memory_space<hbm>>, %arg5: memref<16384x128xf32, #tpu.memory_space<hbm>>, %arg6: memref<128x128xi32, #tpu.memory_space<hbm>>, %arg7: memref<4x128xi32, #tpu.memory_space<vmem>>, %arg8: memref<512x128xf32, #tpu.memory_space<vmem>>, %arg9: memref<4x128xi32, #tpu.memory_space<vmem>>, %arg10: memref<!tpu.dma_semaphore, #tpu.memory_space<semaphore_mem>>) attributes {dimension_semantics = [#tpu.dimension_semantics<core_parallel>, #tpu.dimension_semantics<subcore_parallel>], iteration_bounds = array<i64: 2, 16>, scalar_prefetch = 0 : i64, scratch_operands = 4 : i64, tpu.core_type = #tpu.core_type<sc_vector_subcore>, window_params = [{transform_indices = #map}, {transform_indices = #map1}, {transform_indices = #map2}, {transform_indices = #map}, {transform_indices = #map}]} {
    %mul3A = arith.constant 2 : i32
    %mul3A_0 = arith.muli %arg1, %mul3A : i32
    %add3A = arith.addi %mul3A_0, %arg0 : i32
    "tpu.region"() ({
      %run_scoped3A = tpu.sem_alloc : memref<!tpu.dma_semaphore, #tpu.memory_space<semaphore_mem>>
      %dma_start3A_163 = arith.constant 0 : i32
      %dma_start3A_164 = arith.constant 0 : i32
      %dma_start3A_165 = tpu.memref_slice %arg4[%add3A, %dma_start3A_163, %dma_start3A_164] : memref<32x4x128xi32, #tpu.memory_space<hbm>> -> memref<1x4x128xi32, #tpu.memory_space<hbm>>
      %dma_start3A_166 = tpu.memref_squeeze %dma_start3A_165 : memref<1x4x128xi32, #tpu.memory_space<hbm>> -> memref<4x128xi32, #tpu.memory_space<hbm>>
      %dma_start3A_167 = arith.constant 0 : i32
      %dma_start3A_168 = arith.constant 0 : i32
      %dma_start3A_169 = tpu.memref_slice %arg4[%add3A, %dma_start3A_167, %dma_start3A_168] : memref<32x4x128xi32, #tpu.memory_space<hbm>> -> memref<1x4x128xi32, #tpu.memory_space<hbm>>
      %dma_start3A_170 = tpu.memref_squeeze %dma_start3A_169 : memref<1x4x128xi32, #tpu.memory_space<hbm>> -> memref<4x128xi32, #tpu.memory_space<hbm>>
      tpu.enqueue_dma source(%dma_start3A_170 : memref<4x128xi32, #tpu.memory_space<hbm>>) target(%arg7 : memref<4x128xi32, #tpu.memory_space<vmem>>) target_semaphore(%run_scoped3A : memref<!tpu.dma_semaphore, #tpu.memory_space<semaphore_mem>>)
      %dma_wait3A_171 = arith.constant 0 : i32
      %dma_wait3A_172 = arith.constant 0 : i32
      %dma_wait3A_173 = tpu.memref_slice %arg4[%add3A, %dma_wait3A_171, %dma_wait3A_172] : memref<32x4x128xi32, #tpu.memory_space<hbm>> -> memref<1x4x128xi32, #tpu.memory_space<hbm>>
      %dma_wait3A_174 = tpu.memref_squeeze %dma_wait3A_173 : memref<1x4x128xi32, #tpu.memory_space<hbm>> -> memref<4x128xi32, #tpu.memory_space<hbm>>
      %dma_wait3A_175 = arith.constant 0 : i32
      %dma_wait3A_176 = arith.constant 0 : i32
      %dma_wait3A_177 = tpu.memref_slice %arg4[%add3A, %dma_wait3A_175, %dma_wait3A_176] : memref<32x4x128xi32, #tpu.memory_space<hbm>> -> memref<1x4x128xi32, #tpu.memory_space<hbm>>
      %dma_wait3A_178 = tpu.memref_squeeze %dma_wait3A_177 : memref<1x4x128xi32, #tpu.memory_space<hbm>> -> memref<4x128xi32, #tpu.memory_space<hbm>>
      tpu.wait_dma2 semaphore(%run_scoped3A : memref<!tpu.dma_semaphore, #tpu.memory_space<semaphore_mem>>) src(%dma_wait3A_178 : memref<4x128xi32, #tpu.memory_space<hbm>>) dst(%arg7 : memref<4x128xi32, #tpu.memory_space<vmem>>)
      tpu.yield
    }) : () -> ()
    %dma_start3A = arith.constant 0 : i32
    %dma_start3A_1 = arith.constant 0 : i32
    %dma_start3A_2 = arith.constant 0 : i32
    %dma_start3A_3 = tpu.memref_slice %arg8[%dma_start3A_1, %dma_start3A_2] : memref<512x128xf32, #tpu.memory_space<vmem>> -> memref<128x128xf32, #tpu.memory_space<vmem>>
    %dma_start3A_4 = arith.constant 0 : i32
    %dma_start3A_5 = tpu.memref_slice %arg7[%dma_start3A, %dma_start3A_4] : memref<4x128xi32, #tpu.memory_space<vmem>> -> memref<1x128xi32, #tpu.memory_space<vmem>>
    %dma_start3A_6 = tpu.memref_squeeze %dma_start3A_5 : memref<1x128xi32, #tpu.memory_space<vmem>> -> memref<128xi32, #tpu.memory_space<vmem>>
    %dma_start3A_7 = arith.constant 0 : i32
    %dma_start3A_8 = arith.constant 0 : i32
    %dma_start3A_9 = tpu.memref_slice %arg2[%dma_start3A_7, %dma_start3A_8] : memref<100000x128xf32, #tpu.memory_space<hbm>> -> memref<100000x128xf32, #tpu.memory_space<hbm>>
    tpu.enqueue_indirect_dma source(%dma_start3A_9 : memref<100000x128xf32, #tpu.memory_space<hbm>>) target(%dma_start3A_3 : memref<128x128xf32, #tpu.memory_space<vmem>>) offsets(%dma_start3A_6 : memref<128xi32, #tpu.memory_space<vmem>>) semaphore(%arg10 : memref<!tpu.dma_semaphore, #tpu.memory_space<semaphore_mem>>)
    %dma_start3A_10 = arith.constant 0 : i32
    %dma_start3A_11 = arith.constant 0 : i32
    %dma_start3A_12 = arith.constant 0 : i32
    %dma_start3A_13 = tpu.memref_slice %arg9[%dma_start3A_11, %dma_start3A_12] : memref<4x128xi32, #tpu.memory_space<vmem>> -> memref<1x128xi32, #tpu.memory_space<vmem>>
    %dma_start3A_14 = tpu.memref_squeeze %dma_start3A_13 : memref<1x128xi32, #tpu.memory_space<vmem>> -> memref<128xi32, #tpu.memory_space<vmem>>
    %dma_start3A_15 = arith.constant 0 : i32
    %dma_start3A_16 = tpu.memref_slice %arg7[%dma_start3A_10, %dma_start3A_15] : memref<4x128xi32, #tpu.memory_space<vmem>> -> memref<1x128xi32, #tpu.memory_space<vmem>>
    %dma_start3A_17 = tpu.memref_squeeze %dma_start3A_16 : memref<1x128xi32, #tpu.memory_space<vmem>> -> memref<128xi32, #tpu.memory_space<vmem>>
    %dma_start3A_18 = arith.constant 0 : i32
    %dma_start3A_19 = tpu.memref_slice %arg3[%dma_start3A_18] : memref<100000xi32, #tpu.memory_space<hbm>> -> memref<100000xi32, #tpu.memory_space<hbm>>
    tpu.enqueue_indirect_dma source(%dma_start3A_19 : memref<100000xi32, #tpu.memory_space<hbm>>) target(%dma_start3A_14 : memref<128xi32, #tpu.memory_space<vmem>>) offsets(%dma_start3A_17 : memref<128xi32, #tpu.memory_space<vmem>>) semaphore(%arg10 : memref<!tpu.dma_semaphore, #tpu.memory_space<semaphore_mem>>)
    %dma_start3A_20 = arith.constant 1 : i32
    %dma_start3A_21 = arith.constant 128 : i32
    %dma_start3A_22 = arith.constant 0 : i32
    %dma_start3A_23 = tpu.memref_slice %arg8[%dma_start3A_21, %dma_start3A_22] : memref<512x128xf32, #tpu.memory_space<vmem>> -> memref<128x128xf32, #tpu.memory_space<vmem>>
    %dma_start3A_24 = arith.constant 0 : i32
    %dma_start3A_25 = tpu.memref_slice %arg7[%dma_start3A_20, %dma_start3A_24] : memref<4x128xi32, #tpu.memory_space<vmem>> -> memref<1x128xi32, #tpu.memory_space<vmem>>
    %dma_start3A_26 = tpu.memref_squeeze %dma_start3A_25 : memref<1x128xi32, #tpu.memory_space<vmem>> -> memref<128xi32, #tpu.memory_space<vmem>>
    %dma_start3A_27 = arith.constant 0 : i32
    %dma_start3A_28 = arith.constant 0 : i32
    %dma_start3A_29 = tpu.memref_slice %arg2[%dma_start3A_27, %dma_start3A_28] : memref<100000x128xf32, #tpu.memory_space<hbm>> -> memref<100000x128xf32, #tpu.memory_space<hbm>>
    tpu.enqueue_indirect_dma source(%dma_start3A_29 : memref<100000x128xf32, #tpu.memory_space<hbm>>) target(%dma_start3A_23 : memref<128x128xf32, #tpu.memory_space<vmem>>) offsets(%dma_start3A_26 : memref<128xi32, #tpu.memory_space<vmem>>) semaphore(%arg10 : memref<!tpu.dma_semaphore, #tpu.memory_space<semaphore_mem>>)
    %dma_start3A_30 = arith.constant 1 : i32
    %dma_start3A_31 = arith.constant 1 : i32
    %dma_start3A_32 = arith.constant 0 : i32
    %dma_start3A_33 = tpu.memref_slice %arg9[%dma_start3A_31, %dma_start3A_32] : memref<4x128xi32, #tpu.memory_space<vmem>> -> memref<1x128xi32, #tpu.memory_space<vmem>>
    %dma_start3A_34 = tpu.memref_squeeze %dma_start3A_33 : memref<1x128xi32, #tpu.memory_space<vmem>> -> memref<128xi32, #tpu.memory_space<vmem>>
    %dma_start3A_35 = arith.constant 0 : i32
    %dma_start3A_36 = tpu.memref_slice %arg7[%dma_start3A_30, %dma_start3A_35] : memref<4x128xi32, #tpu.memory_space<vmem>> -> memref<1x128xi32, #tpu.memory_space<vmem>>
    %dma_start3A_37 = tpu.memref_squeeze %dma_start3A_36 : memref<1x128xi32, #tpu.memory_space<vmem>> -> memref<128xi32, #tpu.memory_space<vmem>>
    %dma_start3A_38 = arith.constant 0 : i32
    %dma_start3A_39 = tpu.memref_slice %arg3[%dma_start3A_38] : memref<100000xi32, #tpu.memory_space<hbm>> -> memref<100000xi32, #tpu.memory_space<hbm>>
    tpu.enqueue_indirect_dma source(%dma_start3A_39 : memref<100000xi32, #tpu.memory_space<hbm>>) target(%dma_start3A_34 : memref<128xi32, #tpu.memory_space<vmem>>) offsets(%dma_start3A_37 : memref<128xi32, #tpu.memory_space<vmem>>) semaphore(%arg10 : memref<!tpu.dma_semaphore, #tpu.memory_space<semaphore_mem>>)
    %dma_start3A_40 = arith.constant 2 : i32
    %dma_start3A_41 = arith.constant 256 : i32
    %dma_start3A_42 = arith.constant 0 : i32
    %dma_start3A_43 = tpu.memref_slice %arg8[%dma_start3A_41, %dma_start3A_42] : memref<512x128xf32, #tpu.memory_space<vmem>> -> memref<128x128xf32, #tpu.memory_space<vmem>>
    %dma_start3A_44 = arith.constant 0 : i32
    %dma_start3A_45 = tpu.memref_slice %arg7[%dma_start3A_40, %dma_start3A_44] : memref<4x128xi32, #tpu.memory_space<vmem>> -> memref<1x128xi32, #tpu.memory_space<vmem>>
    %dma_start3A_46 = tpu.memref_squeeze %dma_start3A_45 : memref<1x128xi32, #tpu.memory_space<vmem>> -> memref<128xi32, #tpu.memory_space<vmem>>
    %dma_start3A_47 = arith.constant 0 : i32
    %dma_start3A_48 = arith.constant 0 : i32
    %dma_start3A_49 = tpu.memref_slice %arg2[%dma_start3A_47, %dma_start3A_48] : memref<100000x128xf32, #tpu.memory_space<hbm>> -> memref<100000x128xf32, #tpu.memory_space<hbm>>
    tpu.enqueue_indirect_dma source(%dma_start3A_49 : memref<100000x128xf32, #tpu.memory_space<hbm>>) target(%dma_start3A_43 : memref<128x128xf32, #tpu.memory_space<vmem>>) offsets(%dma_start3A_46 : memref<128xi32, #tpu.memory_space<vmem>>) semaphore(%arg10 : memref<!tpu.dma_semaphore, #tpu.memory_space<semaphore_mem>>)
    %dma_start3A_50 = arith.constant 2 : i32
    %dma_start3A_51 = arith.constant 2 : i32
    %dma_start3A_52 = arith.constant 0 : i32
    %dma_start3A_53 = tpu.memref_slice %arg9[%dma_start3A_51, %dma_start3A_52] : memref<4x128xi32, #tpu.memory_space<vmem>> -> memref<1x128xi32, #tpu.memory_space<vmem>>
    %dma_start3A_54 = tpu.memref_squeeze %dma_start3A_53 : memref<1x128xi32, #tpu.memory_space<vmem>> -> memref<128xi32, #tpu.memory_space<vmem>>
    %dma_start3A_55 = arith.constant 0 : i32
    %dma_start3A_56 = tpu.memref_slice %arg7[%dma_start3A_50, %dma_start3A_55] : memref<4x128xi32, #tpu.memory_space<vmem>> -> memref<1x128xi32, #tpu.memory_space<vmem>>
    %dma_start3A_57 = tpu.memref_squeeze %dma_start3A_56 : memref<1x128xi32, #tpu.memory_space<vmem>> -> memref<128xi32, #tpu.memory_space<vmem>>
    %dma_start3A_58 = arith.constant 0 : i32
    %dma_start3A_59 = tpu.memref_slice %arg3[%dma_start3A_58] : memref<100000xi32, #tpu.memory_space<hbm>> -> memref<100000xi32, #tpu.memory_space<hbm>>
    tpu.enqueue_indirect_dma source(%dma_start3A_59 : memref<100000xi32, #tpu.memory_space<hbm>>) target(%dma_start3A_54 : memref<128xi32, #tpu.memory_space<vmem>>) offsets(%dma_start3A_57 : memref<128xi32, #tpu.memory_space<vmem>>) semaphore(%arg10 : memref<!tpu.dma_semaphore, #tpu.memory_space<semaphore_mem>>)
    %dma_start3A_60 = arith.constant 3 : i32
    %dma_start3A_61 = arith.constant 384 : i32
    %dma_start3A_62 = arith.constant 0 : i32
    %dma_start3A_63 = tpu.memref_slice %arg8[%dma_start3A_61, %dma_start3A_62] : memref<512x128xf32, #tpu.memory_space<vmem>> -> memref<128x128xf32, #tpu.memory_space<vmem>>
    %dma_start3A_64 = arith.constant 0 : i32
    %dma_start3A_65 = tpu.memref_slice %arg7[%dma_start3A_60, %dma_start3A_64] : memref<4x128xi32, #tpu.memory_space<vmem>> -> memref<1x128xi32, #tpu.memory_space<vmem>>
    %dma_start3A_66 = tpu.memref_squeeze %dma_start3A_65 : memref<1x128xi32, #tpu.memory_space<vmem>> -> memref<128xi32, #tpu.memory_space<vmem>>
    %dma_start3A_67 = arith.constant 0 : i32
    %dma_start3A_68 = arith.constant 0 : i32
    %dma_start3A_69 = tpu.memref_slice %arg2[%dma_start3A_67, %dma_start3A_68] : memref<100000x128xf32, #tpu.memory_space<hbm>> -> memref<100000x128xf32, #tpu.memory_space<hbm>>
    tpu.enqueue_indirect_dma source(%dma_start3A_69 : memref<100000x128xf32, #tpu.memory_space<hbm>>) target(%dma_start3A_63 : memref<128x128xf32, #tpu.memory_space<vmem>>) offsets(%dma_start3A_66 : memref<128xi32, #tpu.memory_space<vmem>>) semaphore(%arg10 : memref<!tpu.dma_semaphore, #tpu.memory_space<semaphore_mem>>)
    %dma_start3A_70 = arith.constant 3 : i32
    %dma_start3A_71 = arith.constant 3 : i32
    %dma_start3A_72 = arith.constant 0 : i32
    %dma_start3A_73 = tpu.memref_slice %arg9[%dma_start3A_71, %dma_start3A_72] : memref<4x128xi32, #tpu.memory_space<vmem>> -> memref<1x128xi32, #tpu.memory_space<vmem>>
    %dma_start3A_74 = tpu.memref_squeeze %dma_start3A_73 : memref<1x128xi32, #tpu.memory_space<vmem>> -> memref<128xi32, #tpu.memory_space<vmem>>
    %dma_start3A_75 = arith.constant 0 : i32
    %dma_start3A_76 = tpu.memref_slice %arg7[%dma_start3A_70, %dma_start3A_75] : memref<4x128xi32, #tpu.memory_space<vmem>> -> memref<1x128xi32, #tpu.memory_space<vmem>>
    %dma_start3A_77 = tpu.memref_squeeze %dma_start3A_76 : memref<1x128xi32, #tpu.memory_space<vmem>> -> memref<128xi32, #tpu.memory_space<vmem>>
    %dma_start3A_78 = arith.constant 0 : i32
    %dma_start3A_79 = tpu.memref_slice %arg3[%dma_start3A_78] : memref<100000xi32, #tpu.memory_space<hbm>> -> memref<100000xi32, #tpu.memory_space<hbm>>
    tpu.enqueue_indirect_dma source(%dma_start3A_79 : memref<100000xi32, #tpu.memory_space<hbm>>) target(%dma_start3A_74 : memref<128xi32, #tpu.memory_space<vmem>>) offsets(%dma_start3A_77 : memref<128xi32, #tpu.memory_space<vmem>>) semaphore(%arg10 : memref<!tpu.dma_semaphore, #tpu.memory_space<semaphore_mem>>)
    %dma_wait3A = arith.constant 0 : i32
    %dma_wait3A_80 = arith.constant 0 : i32
    %dma_wait3A_81 = arith.constant 0 : i32
    %dma_wait3A_82 = tpu.memref_slice %arg8[%dma_wait3A_80, %dma_wait3A_81] : memref<512x128xf32, #tpu.memory_space<vmem>> -> memref<128x128xf32, #tpu.memory_space<vmem>>
    %dma_wait3A_83 = arith.constant 0 : i32
    %dma_wait3A_84 = tpu.memref_slice %arg7[%dma_wait3A, %dma_wait3A_83] : memref<4x128xi32, #tpu.memory_space<vmem>> -> memref<1x128xi32, #tpu.memory_space<vmem>>
    %dma_wait3A_85 = tpu.memref_squeeze %dma_wait3A_84 : memref<1x128xi32, #tpu.memory_space<vmem>> -> memref<128xi32, #tpu.memory_space<vmem>>
    %dma_wait3A_86 = arith.constant 0 : i32
    %dma_wait3A_87 = arith.constant 0 : i32
    %dma_wait3A_88 = tpu.memref_slice %arg2[%dma_wait3A_86, %dma_wait3A_87] : memref<100000x128xf32, #tpu.memory_space<hbm>> -> memref<100000x128xf32, #tpu.memory_space<hbm>>
    tpu.wait_indirect_dma semaphore(%arg10 : memref<!tpu.dma_semaphore, #tpu.memory_space<semaphore_mem>>) src(%dma_wait3A_88 : memref<100000x128xf32, #tpu.memory_space<hbm>>) dst(%dma_wait3A_82 : memref<128x128xf32, #tpu.memory_space<vmem>>)
    %dma_wait3A_89 = arith.constant 0 : i32
    %dma_wait3A_90 = arith.constant 0 : i32
    %dma_wait3A_91 = arith.constant 0 : i32
    %dma_wait3A_92 = tpu.memref_slice %arg9[%dma_wait3A_90, %dma_wait3A_91] : memref<4x128xi32, #tpu.memory_space<vmem>> -> memref<1x128xi32, #tpu.memory_space<vmem>>
    %dma_wait3A_93 = tpu.memref_squeeze %dma_wait3A_92 : memref<1x128xi32, #tpu.memory_space<vmem>> -> memref<128xi32, #tpu.memory_space<vmem>>
    %dma_wait3A_94 = arith.constant 0 : i32
    %dma_wait3A_95 = tpu.memref_slice %arg7[%dma_wait3A_89, %dma_wait3A_94] : memref<4x128xi32, #tpu.memory_space<vmem>> -> memref<1x128xi32, #tpu.memory_space<vmem>>
    %dma_wait3A_96 = tpu.memref_squeeze %dma_wait3A_95 : memref<1x128xi32, #tpu.memory_space<vmem>> -> memref<128xi32, #tpu.memory_space<vmem>>
    %dma_wait3A_97 = arith.constant 0 : i32
    %dma_wait3A_98 = tpu.memref_slice %arg3[%dma_wait3A_97] : memref<100000xi32, #tpu.memory_space<hbm>> -> memref<100000xi32, #tpu.memory_space<hbm>>
    tpu.wait_indirect_dma semaphore(%arg10 : memref<!tpu.dma_semaphore, #tpu.memory_space<semaphore_mem>>) src(%dma_wait3A_98 : memref<100000xi32, #tpu.memory_space<hbm>>) dst(%dma_wait3A_93 : memref<128xi32, #tpu.memory_space<vmem>>)
    %dma_wait3A_99 = arith.constant 1 : i32
    %dma_wait3A_100 = arith.constant 128 : i32
    %dma_wait3A_101 = arith.constant 0 : i32
    %dma_wait3A_102 = tpu.memref_slice %arg8[%dma_wait3A_100, %dma_wait3A_101] : memref<512x128xf32, #tpu.memory_space<vmem>> -> memref<128x128xf32, #tpu.memory_space<vmem>>
    %dma_wait3A_103 = arith.constant 0 : i32
    %dma_wait3A_104 = tpu.memref_slice %arg7[%dma_wait3A_99, %dma_wait3A_103] : memref<4x128xi32, #tpu.memory_space<vmem>> -> memref<1x128xi32, #tpu.memory_space<vmem>>
    %dma_wait3A_105 = tpu.memref_squeeze %dma_wait3A_104 : memref<1x128xi32, #tpu.memory_space<vmem>> -> memref<128xi32, #tpu.memory_space<vmem>>
    %dma_wait3A_106 = arith.constant 0 : i32
    %dma_wait3A_107 = arith.constant 0 : i32
    %dma_wait3A_108 = tpu.memref_slice %arg2[%dma_wait3A_106, %dma_wait3A_107] : memref<100000x128xf32, #tpu.memory_space<hbm>> -> memref<100000x128xf32, #tpu.memory_space<hbm>>
    tpu.wait_indirect_dma semaphore(%arg10 : memref<!tpu.dma_semaphore, #tpu.memory_space<semaphore_mem>>) src(%dma_wait3A_108 : memref<100000x128xf32, #tpu.memory_space<hbm>>) dst(%dma_wait3A_102 : memref<128x128xf32, #tpu.memory_space<vmem>>)
    %dma_wait3A_109 = arith.constant 1 : i32
    %dma_wait3A_110 = arith.constant 1 : i32
    %dma_wait3A_111 = arith.constant 0 : i32
    %dma_wait3A_112 = tpu.memref_slice %arg9[%dma_wait3A_110, %dma_wait3A_111] : memref<4x128xi32, #tpu.memory_space<vmem>> -> memref<1x128xi32, #tpu.memory_space<vmem>>
    %dma_wait3A_113 = tpu.memref_squeeze %dma_wait3A_112 : memref<1x128xi32, #tpu.memory_space<vmem>> -> memref<128xi32, #tpu.memory_space<vmem>>
    %dma_wait3A_114 = arith.constant 0 : i32
    %dma_wait3A_115 = tpu.memref_slice %arg7[%dma_wait3A_109, %dma_wait3A_114] : memref<4x128xi32, #tpu.memory_space<vmem>> -> memref<1x128xi32, #tpu.memory_space<vmem>>
    %dma_wait3A_116 = tpu.memref_squeeze %dma_wait3A_115 : memref<1x128xi32, #tpu.memory_space<vmem>> -> memref<128xi32, #tpu.memory_space<vmem>>
    %dma_wait3A_117 = arith.constant 0 : i32
    %dma_wait3A_118 = tpu.memref_slice %arg3[%dma_wait3A_117] : memref<100000xi32, #tpu.memory_space<hbm>> -> memref<100000xi32, #tpu.memory_space<hbm>>
    tpu.wait_indirect_dma semaphore(%arg10 : memref<!tpu.dma_semaphore, #tpu.memory_space<semaphore_mem>>) src(%dma_wait3A_118 : memref<100000xi32, #tpu.memory_space<hbm>>) dst(%dma_wait3A_113 : memref<128xi32, #tpu.memory_space<vmem>>)
    %dma_wait3A_119 = arith.constant 2 : i32
    %dma_wait3A_120 = arith.constant 256 : i32
    %dma_wait3A_121 = arith.constant 0 : i32
    %dma_wait3A_122 = tpu.memref_slice %arg8[%dma_wait3A_120, %dma_wait3A_121] : memref<512x128xf32, #tpu.memory_space<vmem>> -> memref<128x128xf32, #tpu.memory_space<vmem>>
    %dma_wait3A_123 = arith.constant 0 : i32
    %dma_wait3A_124 = tpu.memref_slice %arg7[%dma_wait3A_119, %dma_wait3A_123] : memref<4x128xi32, #tpu.memory_space<vmem>> -> memref<1x128xi32, #tpu.memory_space<vmem>>
    %dma_wait3A_125 = tpu.memref_squeeze %dma_wait3A_124 : memref<1x128xi32, #tpu.memory_space<vmem>> -> memref<128xi32, #tpu.memory_space<vmem>>
    %dma_wait3A_126 = arith.constant 0 : i32
    %dma_wait3A_127 = arith.constant 0 : i32
    %dma_wait3A_128 = tpu.memref_slice %arg2[%dma_wait3A_126, %dma_wait3A_127] : memref<100000x128xf32, #tpu.memory_space<hbm>> -> memref<100000x128xf32, #tpu.memory_space<hbm>>
    tpu.wait_indirect_dma semaphore(%arg10 : memref<!tpu.dma_semaphore, #tpu.memory_space<semaphore_mem>>) src(%dma_wait3A_128 : memref<100000x128xf32, #tpu.memory_space<hbm>>) dst(%dma_wait3A_122 : memref<128x128xf32, #tpu.memory_space<vmem>>)
    %dma_wait3A_129 = arith.constant 2 : i32
    %dma_wait3A_130 = arith.constant 2 : i32
    %dma_wait3A_131 = arith.constant 0 : i32
    %dma_wait3A_132 = tpu.memref_slice %arg9[%dma_wait3A_130, %dma_wait3A_131] : memref<4x128xi32, #tpu.memory_space<vmem>> -> memref<1x128xi32, #tpu.memory_space<vmem>>
    %dma_wait3A_133 = tpu.memref_squeeze %dma_wait3A_132 : memref<1x128xi32, #tpu.memory_space<vmem>> -> memref<128xi32, #tpu.memory_space<vmem>>
    %dma_wait3A_134 = arith.constant 0 : i32
    %dma_wait3A_135 = tpu.memref_slice %arg7[%dma_wait3A_129, %dma_wait3A_134] : memref<4x128xi32, #tpu.memory_space<vmem>> -> memref<1x128xi32, #tpu.memory_space<vmem>>
    %dma_wait3A_136 = tpu.memref_squeeze %dma_wait3A_135 : memref<1x128xi32, #tpu.memory_space<vmem>> -> memref<128xi32, #tpu.memory_space<vmem>>
    %dma_wait3A_137 = arith.constant 0 : i32
    %dma_wait3A_138 = tpu.memref_slice %arg3[%dma_wait3A_137] : memref<100000xi32, #tpu.memory_space<hbm>> -> memref<100000xi32, #tpu.memory_space<hbm>>
    tpu.wait_indirect_dma semaphore(%arg10 : memref<!tpu.dma_semaphore, #tpu.memory_space<semaphore_mem>>) src(%dma_wait3A_138 : memref<100000xi32, #tpu.memory_space<hbm>>) dst(%dma_wait3A_133 : memref<128xi32, #tpu.memory_space<vmem>>)
    %dma_wait3A_139 = arith.constant 3 : i32
    %dma_wait3A_140 = arith.constant 384 : i32
    %dma_wait3A_141 = arith.constant 0 : i32
    %dma_wait3A_142 = tpu.memref_slice %arg8[%dma_wait3A_140, %dma_wait3A_141] : memref<512x128xf32, #tpu.memory_space<vmem>> -> memref<128x128xf32, #tpu.memory_space<vmem>>
    %dma_wait3A_143 = arith.constant 0 : i32
    %dma_wait3A_144 = tpu.memref_slice %arg7[%dma_wait3A_139, %dma_wait3A_143] : memref<4x128xi32, #tpu.memory_space<vmem>> -> memref<1x128xi32, #tpu.memory_space<vmem>>
    %dma_wait3A_145 = tpu.memref_squeeze %dma_wait3A_144 : memref<1x128xi32, #tpu.memory_space<vmem>> -> memref<128xi32, #tpu.memory_space<vmem>>
    %dma_wait3A_146 = arith.constant 0 : i32
    %dma_wait3A_147 = arith.constant 0 : i32
    %dma_wait3A_148 = tpu.memref_slice %arg2[%dma_wait3A_146, %dma_wait3A_147] : memref<100000x128xf32, #tpu.memory_space<hbm>> -> memref<100000x128xf32, #tpu.memory_space<hbm>>
    tpu.wait_indirect_dma semaphore(%arg10 : memref<!tpu.dma_semaphore, #tpu.memory_space<semaphore_mem>>) src(%dma_wait3A_148 : memref<100000x128xf32, #tpu.memory_space<hbm>>) dst(%dma_wait3A_142 : memref<128x128xf32, #tpu.memory_space<vmem>>)
    %dma_wait3A_149 = arith.constant 3 : i32
    %dma_wait3A_150 = arith.constant 3 : i32
    %dma_wait3A_151 = arith.constant 0 : i32
    %dma_wait3A_152 = tpu.memref_slice %arg9[%dma_wait3A_150, %dma_wait3A_151] : memref<4x128xi32, #tpu.memory_space<vmem>> -> memref<1x128xi32, #tpu.memory_space<vmem>>
    %dma_wait3A_153 = tpu.memref_squeeze %dma_wait3A_152 : memref<1x128xi32, #tpu.memory_space<vmem>> -> memref<128xi32, #tpu.memory_space<vmem>>
    %dma_wait3A_154 = arith.constant 0 : i32
    %dma_wait3A_155 = tpu.memref_slice %arg7[%dma_wait3A_149, %dma_wait3A_154] : memref<4x128xi32, #tpu.memory_space<vmem>> -> memref<1x128xi32, #tpu.memory_space<vmem>>
    %dma_wait3A_156 = tpu.memref_squeeze %dma_wait3A_155 : memref<1x128xi32, #tpu.memory_space<vmem>> -> memref<128xi32, #tpu.memory_space<vmem>>
    %dma_wait3A_157 = arith.constant 0 : i32
    %dma_wait3A_158 = tpu.memref_slice %arg3[%dma_wait3A_157] : memref<100000xi32, #tpu.memory_space<hbm>> -> memref<100000xi32, #tpu.memory_space<hbm>>
    tpu.wait_indirect_dma semaphore(%arg10 : memref<!tpu.dma_semaphore, #tpu.memory_space<semaphore_mem>>) src(%dma_wait3A_158 : memref<100000xi32, #tpu.memory_space<hbm>>) dst(%dma_wait3A_153 : memref<128xi32, #tpu.memory_space<vmem>>)
    %mul3A_159 = arith.constant 512 : i32
    %mul3A_160 = arith.muli %add3A, %mul3A_159 : i32
    "tpu.region"() ({
      %run_scoped3A = tpu.sem_alloc : memref<!tpu.dma_semaphore, #tpu.memory_space<semaphore_mem>>
      %dma_start3A_163 = arith.constant 0 : i32
      %dma_start3A_164 = tpu.memref_slice %arg5[%mul3A_160, %dma_start3A_163] : memref<16384x128xf32, #tpu.memory_space<hbm>> -> memref<512x128xf32, #tpu.memory_space<hbm>>
      %dma_start3A_165 = arith.constant 0 : i32
      %dma_start3A_166 = tpu.memref_slice %arg5[%mul3A_160, %dma_start3A_165] : memref<16384x128xf32, #tpu.memory_space<hbm>> -> memref<512x128xf32, #tpu.memory_space<hbm>>
      tpu.enqueue_dma source(%arg8 : memref<512x128xf32, #tpu.memory_space<vmem>>) target(%dma_start3A_166 : memref<512x128xf32, #tpu.memory_space<hbm>>) target_semaphore(%run_scoped3A : memref<!tpu.dma_semaphore, #tpu.memory_space<semaphore_mem>>)
      %dma_wait3A_167 = arith.constant 0 : i32
      %dma_wait3A_168 = tpu.memref_slice %arg5[%mul3A_160, %dma_wait3A_167] : memref<16384x128xf32, #tpu.memory_space<hbm>> -> memref<512x128xf32, #tpu.memory_space<hbm>>
      %dma_wait3A_169 = arith.constant 0 : i32
      %dma_wait3A_170 = tpu.memref_slice %arg5[%mul3A_160, %dma_wait3A_169] : memref<16384x128xf32, #tpu.memory_space<hbm>> -> memref<512x128xf32, #tpu.memory_space<hbm>>
      tpu.wait_dma2 semaphore(%run_scoped3A : memref<!tpu.dma_semaphore, #tpu.memory_space<semaphore_mem>>) src(%arg8 : memref<512x128xf32, #tpu.memory_space<vmem>>) dst(%dma_wait3A_170 : memref<512x128xf32, #tpu.memory_space<hbm>>)
      tpu.yield
    }) : () -> ()
    %mul3A_161 = arith.constant 4 : i32
    %mul3A_162 = arith.muli %add3A, %mul3A_161 : i32
    "tpu.region"() ({
      %run_scoped3A = tpu.sem_alloc : memref<!tpu.dma_semaphore, #tpu.memory_space<semaphore_mem>>
      %dma_start3A_163 = arith.constant 0 : i32
      %dma_start3A_164 = tpu.memref_slice %arg6[%mul3A_162, %dma_start3A_163] : memref<128x128xi32, #tpu.memory_space<hbm>> -> memref<4x128xi32, #tpu.memory_space<hbm>>
      %dma_start3A_165 = arith.constant 0 : i32
      %dma_start3A_166 = tpu.memref_slice %arg6[%mul3A_162, %dma_start3A_165] : memref<128x128xi32, #tpu.memory_space<hbm>> -> memref<4x128xi32, #tpu.memory_space<hbm>>
      tpu.enqueue_dma source(%arg9 : memref<4x128xi32, #tpu.memory_space<vmem>>) target(%dma_start3A_166 : memref<4x128xi32, #tpu.memory_space<hbm>>) target_semaphore(%run_scoped3A : memref<!tpu.dma_semaphore, #tpu.memory_space<semaphore_mem>>)
      %dma_wait3A_167 = arith.constant 0 : i32
      %dma_wait3A_168 = tpu.memref_slice %arg6[%mul3A_162, %dma_wait3A_167] : memref<128x128xi32, #tpu.memory_space<hbm>> -> memref<4x128xi32, #tpu.memory_space<hbm>>
      %dma_wait3A_169 = arith.constant 0 : i32
      %dma_wait3A_170 = tpu.memref_slice %arg6[%mul3A_162, %dma_wait3A_169] : memref<128x128xi32, #tpu.memory_space<hbm>> -> memref<4x128xi32, #tpu.memory_space<hbm>>
      tpu.wait_dma2 semaphore(%run_scoped3A : memref<!tpu.dma_semaphore, #tpu.memory_space<semaphore_mem>>) src(%arg9 : memref<4x128xi32, #tpu.memory_space<vmem>>) dst(%dma_wait3A_170 : memref<4x128xi32, #tpu.memory_space<hbm>>)
      tpu.yield
    }) : () -> ()
    return
  }
}

module attributes {stable_mosaic.version = 14 : i64} {
  func.func @_transpose_pad_kernel(%arg0: i32, %arg1: memref<64x16384xf32, #tpu.memory_space<vmem>>, %arg2: memref<16384xi32, #tpu.memory_space<vmem>>, %arg3: memref<16384xi32, #tpu.memory_space<vmem>>, %arg4: memref<16384xi32, #tpu.memory_space<vmem>>, %arg5: memref<16384x128xf32, #tpu.memory_space<vmem>>, %arg6: memref<16384xi32, #tpu.memory_space<vmem>>) attributes {dimension_semantics = [#tpu.dimension_semantics<arbitrary>], iteration_bounds = array<i64: 7>, scalar_prefetch = 0 : i64, scratch_operands = 0 : i64, tpu.core_type = #tpu.core_type<tc>, window_params = [{transform_indices = @transform_0, window_bounds = array<i64: 64, 16384>}, {transform_indices = @transform_1, window_bounds = array<i64: 16384>}, {transform_indices = @transform_2, window_bounds = array<i64: 16384>}, {transform_indices = @transform_3, window_bounds = array<i64: 16384>}, {transform_indices = @transform_4, window_bounds = array<i64: 16384, 128>}, {transform_indices = @transform_5, window_bounds = array<i64: 16384>}]} {
    %iota3A = tpu.iota {dimensions = array<i32: 0>} : vector<64x128xi32>
    %iota3A_0 = tpu.iota {dimensions = array<i32: 1>} : vector<64x128xi32>
    %eq3A = arith.cmpi eq, %iota3A, %iota3A_0 : vector<64x128xi32>
    %convert_element_type3A = arith.extui %eq3A : vector<64x128xi1> to vector<64x128xi32>
    %convert_element_type3A_1 = arith.sitofp %convert_element_type3A : vector<64x128xi32> to vector<64x128xf32>
    %get3A = arith.constant 0 : index
    %get3A_2 = arith.constant 0 : index
    %get3A_3 = vector.load %arg1[%get3A, %get3A_2] : memref<64x16384xf32, #tpu.memory_space<vmem>>, vector<64x16384xf32>
    %dot_general3A = arith.constant dense<0.000000e+00> : vector<16384x128xf32>
    %dot_general3A_4 = tpu.matmul %get3A_3, %convert_element_type3A_1, %dot_general3A {dimension_numbers = #tpu.dot_dimension_numbers<[0], [0], [1], [1], [0, 1, 1, 1], [], []>, transpose_lhs_hint = false} : vector<64x16384xf32>, vector<64x128xf32>, vector<16384x128xf32> -> vector<16384x128xf32>
    %swap3A = arith.constant 0 : index
    %swap3A_5 = arith.constant 0 : index
    %swap3A_6 = vector.load %arg5[%swap3A, %swap3A_5] : memref<16384x128xf32, #tpu.memory_space<vmem>>, vector<16384x128xf32>
    tpu.vector_store %arg5[%swap3A, %swap3A_5], %dot_general3A_4 {strides = array<i32>} : memref<16384x128xf32, #tpu.memory_space<vmem>>, vector<16384x128xf32>,
    %get3A_7 = arith.constant 0 : index
    %get3A_8 = vector.load %arg2[%get3A_7] : memref<16384xi32, #tpu.memory_space<vmem>>, vector<16384xi32>
    %get3A_9 = arith.constant 0 : index
    %get3A_10 = vector.load %arg3[%get3A_9] : memref<16384xi32, #tpu.memory_space<vmem>>, vector<16384xi32>
    %shift_left3A = arith.constant 5 : i32
    %shift_left3A_11 = vector.broadcast %shift_left3A : i32 to vector<16384xi32>
    %shift_left3A_12 = arith.shli %get3A_10, %shift_left3A_11 : vector<16384xi32>
    %or3A = arith.ori %get3A_8, %shift_left3A_12 : vector<16384xi32>
    %get3A_13 = arith.constant 0 : index
    %get3A_14 = vector.load %arg4[%get3A_13] : memref<16384xi32, #tpu.memory_space<vmem>>, vector<16384xi32>
    %shift_left3A_15 = arith.constant 10 : i32
    %shift_left3A_16 = vector.broadcast %shift_left3A_15 : i32 to vector<16384xi32>
    %shift_left3A_17 = arith.shli %get3A_14, %shift_left3A_16 : vector<16384xi32>
    %or3A_18 = arith.ori %or3A, %shift_left3A_17 : vector<16384xi32>
    %swap3A_19 = arith.constant 0 : index
    %swap3A_20 = vector.load %arg6[%swap3A_19] : memref<16384xi32, #tpu.memory_space<vmem>>, vector<16384xi32>
    tpu.vector_store %arg6[%swap3A_19], %or3A_18 {strides = array<i32>} : memref<16384xi32, #tpu.memory_space<vmem>>, vector<16384xi32>,
    return
  }
  func.func @transform_0(%arg0: i32) -> (i32, i32) {
    %c0_i32 = arith.constant 0 : i32
    %c0_i32_0 = arith.constant 0 : i32
    return %c0_i32, %arg0 : i32, i32
  }
  func.func @transform_1(%arg0: i32) -> i32 {
    %c0_i32 = arith.constant 0 : i32
    return %arg0 : i32
  }
  func.func @transform_2(%arg0: i32) -> i32 {
    %c0_i32 = arith.constant 0 : i32
    return %arg0 : i32
  }
  func.func @transform_3(%arg0: i32) -> i32 {
    %c0_i32 = arith.constant 0 : i32
    return %arg0 : i32
  }
  func.func @transform_4(%arg0: i32) -> (i32, i32) {
    %c0_i32 = arith.constant 0 : i32
    %c0_i32_0 = arith.constant 0 : i32
    return %arg0, %c0_i32 : i32, i32
  }
  func.func @transform_5(%arg0: i32) -> i32 {
    %c0_i32 = arith.constant 0 : i32
    return %arg0 : i32
  }
}

module attributes {stable_mosaic.version = 14 : i64} {
  func.func @_tc_kernel(%arg0: i32, %arg1: memref<16384x128xf32, #tpu.memory_space<vmem>>, %arg2: memref<128x128xi32, #tpu.memory_space<vmem>>, %arg3: memref<10x20xf32, #tpu.memory_space<vmem>>, %arg4: memref<15x31xf32, #tpu.memory_space<vmem>>, %arg5: memref<10x21xf32, #tpu.memory_space<vmem>>, %arg6: memref<99x128xf32, #tpu.memory_space<vmem>>, %arg7: memref<99xf32, #tpu.memory_space<vmem>>, %arg8: memref<99xf32, #tpu.memory_space<vmem>>, %arg9: memref<2048x128xf32, #tpu.memory_space<vmem>>, %arg10: memref<96x128xbf16, #tpu.memory_space<vmem>>, %arg11: memref<1x128xf32, #tpu.memory_space<vmem>>, %arg12: memref<128x128xbf16, #tpu.memory_space<vmem>>) attributes {dimension_semantics = [#tpu.dimension_semantics<arbitrary>], iteration_bounds = array<i64: 8>, scalar_prefetch = 0 : i64, scratch_operands = 3 : i64, tpu.core_type = #tpu.core_type<tc>, window_params = [{pipeline_mode = #tpu.pipeline_mode<synchronous>, transform_indices = @transform_0, window_bounds = array<i64: 16384, 128>}, {pipeline_mode = #tpu.pipeline_mode<synchronous>, transform_indices = @transform_1, window_bounds = array<i64: 128, 128>}, {pipeline_mode = #tpu.pipeline_mode<synchronous>, transform_indices = @transform_2, window_bounds = array<i64: 10, 20>}, {pipeline_mode = #tpu.pipeline_mode<synchronous>, transform_indices = @transform_3, window_bounds = array<i64: 15, 31>}, {pipeline_mode = #tpu.pipeline_mode<synchronous>, transform_indices = @transform_4, window_bounds = array<i64: 10, 21>}, {pipeline_mode = #tpu.pipeline_mode<synchronous>, transform_indices = @transform_5, window_bounds = array<i64: 99, 128>}, {pipeline_mode = #tpu.pipeline_mode<synchronous>, transform_indices = @transform_6, window_bounds = array<i64: 99>}, {pipeline_mode = #tpu.pipeline_mode<synchronous>, transform_indices = @transform_7, window_bounds = array<i64: 99>}, {transform_indices = @transform_8, window_bounds = array<i64: 2048, 128>}]} {
    %eq3A = arith.constant 0 : i32
    %eq3A_0 = arith.cmpi eq, %arg0, %eq3A : i32
    %convert_element_type3A = arith.extui %eq3A_0 : i1 to i32
    %cond3A = arith.constant 6.10351563E-5 : f32
    %cond3A_1 = arith.constant 0 : i32
    %cond3A_2 = arith.cmpi ne, %convert_element_type3A, %cond3A_1 : i32
    scf.if %cond3A_2 {
      %broadcast_in_dim3A_207 = arith.constant 1.000000e+00 : bf16
      %broadcast_in_dim3A_208 = vector.broadcast %broadcast_in_dim3A_207 : bf16 to vector<1x2048xbf16>
      %broadcast_in_dim3A_209 = arith.constant 0.000000e+00 : f32
      %broadcast_in_dim3A_210 = vector.broadcast %broadcast_in_dim3A_209 : f32 to vector<1x128xf32>
      %broadcast_in_dim3A_211 = arith.constant 0.000000e+00 : f32
      %broadcast_in_dim3A_212 = vector.broadcast %broadcast_in_dim3A_211 : f32 to vector<1x128xf32>
      %broadcast_in_dim3A_213 = arith.constant 0.000000e+00 : f32
      %broadcast_in_dim3A_214 = vector.broadcast %broadcast_in_dim3A_213 : f32 to vector<96x128xf32>
      %get3A_215 = arith.constant 0 : index
      %get3A_216 = arith.constant 0 : index
      %get3A_217 = vector.load %arg1[%get3A_215, %get3A_216] : memref<16384x128xf32, #tpu.memory_space<vmem>>, vector<2048x128xf32>
      %convert_element_type3A_218 = arith.truncf %get3A_217 : vector<2048x128xf32> to vector<2048x128xbf16>
      %dot_general3A_219 = arith.constant dense<0.000000e+00> : vector<1x128xf32>
      %dot_general3A_220 = tpu.matmul %broadcast_in_dim3A_208, %convert_element_type3A_218, %dot_general3A_219 {dimension_numbers = #tpu.dot_dimension_numbers<[1], [0], [0], [1], [0, 0, 1, 1], [], []>, transpose_lhs_hint = false} : vector<1x2048xbf16>, vector<2048x128xbf16>, vector<1x128xf32> -> vector<1x128xf32>
      %add3A_221 = arith.addf %broadcast_in_dim3A_210, %dot_general3A_220 : vector<1x128xf32>
      %mul3A_222 = arith.mulf %convert_element_type3A_218, %convert_element_type3A_218 : vector<2048x128xbf16>
      %dot_general3A_223 = arith.constant dense<0.000000e+00> : vector<1x128xf32>
      %dot_general3A_224 = tpu.matmul %broadcast_in_dim3A_208, %mul3A_222, %dot_general3A_223 {dimension_numbers = #tpu.dot_dimension_numbers<[1], [0], [0], [1], [0, 0, 1, 1], [], []>, transpose_lhs_hint = false} : vector<1x2048xbf16>, vector<2048x128xbf16>, vector<1x128xf32> -> vector<1x128xf32>
      %add3A_225 = arith.addf %broadcast_in_dim3A_212, %dot_general3A_224 : vector<1x128xf32>
      %get3A_226 = arith.constant 0 : index
      %get3A_227 = arith.constant 0 : index
      %get3A_228 = vector.load %arg2[%get3A_226, %get3A_227] : memref<128x128xi32, #tpu.memory_space<vmem>>, vector<16x128xi32>
      %iota3A_229 = tpu.iota {dimensions = array<i32: 0>} : vector<96x1x1xi32>
      %lt3A_230 = arith.constant 32 : i32
      %lt3A_231 = vector.broadcast %lt3A_230 : i32 to vector<96x1x1xi32>
      %lt3A_232 = arith.cmpi slt, %iota3A_229, %lt3A_231 : vector<96x1x1xi32>
      %lt3A_233 = arith.constant 64 : i32
      %lt3A_234 = vector.broadcast %lt3A_233 : i32 to vector<96x1x1xi32>
      %lt3A_235 = arith.cmpi slt, %iota3A_229, %lt3A_234 : vector<96x1x1xi32>
      %jit3A_236 = arith.constant 5 : i32
      %jit3A_237 = arith.constant 10 : i32
      %broadcast_in_dim3A_238 = vector.broadcast %jit3A_236 : i32 to vector<96x1x1xi32>
      %broadcast_in_dim3A_239 = vector.broadcast %jit3A_237 : i32 to vector<96x1x1xi32>
      %select_n3A_240 = arith.select %lt3A_235, %broadcast_in_dim3A_238, %broadcast_in_dim3A_239 : vector<96x1x1xi1>, vector<96x1x1xi32>
      %jit3A_241 = arith.constant 0 : i32
      %broadcast_in_dim3A_242 = vector.broadcast %jit3A_241 : i32 to vector<96x1x1xi32>
      %select_n3A_243 = arith.select %lt3A_232, %broadcast_in_dim3A_242, %select_n3A_240 : vector<96x1x1xi1>, vector<96x1x1xi32>
      %jit3A_244 = arith.constant 32 : i32
      %eq3A_245 = arith.constant 0 : i32
      %eq3A_246 = arith.cmpi eq, %jit3A_244, %eq3A_245 : i32
      %jit3A_247 = arith.constant 1 : i32
      %select_n3A_248 = arith.select %eq3A_246, %jit3A_247, %jit3A_244 : i32
      %rem3A_249 = vector.broadcast %select_n3A_248 : i32 to vector<96x1x1xi32>
      %rem3A_250 = arith.remsi %iota3A_229, %rem3A_249 : vector<96x1x1xi32>
      %ne3A_251 = arith.constant 0 : i32
      %ne3A_252 = vector.broadcast %ne3A_251 : i32 to vector<96x1x1xi32>
      %ne3A_253 = arith.cmpi ne, %rem3A_250, %ne3A_252 : vector<96x1x1xi32>
      %lt3A_254 = arith.constant 0 : i32
      %lt3A_255 = vector.broadcast %lt3A_254 : i32 to vector<96x1x1xi32>
      %lt3A_256 = arith.cmpi slt, %rem3A_250, %lt3A_255 : vector<96x1x1xi32>
      %lt3A_257 = arith.constant 0 : i32
      %lt3A_258 = arith.cmpi slt, %select_n3A_248, %lt3A_257 : i32
      %ne3A_259 = vector.broadcast %lt3A_258 : i1 to vector<96x1x1xi1>
      %ne3A_260 = vector.broadcast %ne3A_259 : vector<96x1x1xi1> to vector<96x1x1xi1>
      %ne3A_261 = arith.xori %lt3A_256, %ne3A_260 : vector<96x1x1xi1>
      %and3A_262 = arith.andi %ne3A_261, %ne3A_253 : vector<96x1x1xi1>
      %add3A_263 = vector.broadcast %select_n3A_248 : i32 to vector<96x1x1xi32>
      %add3A_264 = arith.addi %rem3A_250, %add3A_263 : vector<96x1x1xi32>
      %select_n3A_265 = arith.select %and3A_262, %add3A_264, %rem3A_250 : vector<96x1x1xi1>, vector<96x1x1xi32>
      %broadcast_in_dim3A_266 = vector.shape_cast %get3A_228 : vector<16x128xi32> to vector<1x16x128xi32>
      %shift_right_logical3A_267 = vector.broadcast %broadcast_in_dim3A_266 : vector<1x16x128xi32> to vector<96x16x128xi32>
      %shift_right_logical3A_268 = vector.broadcast %select_n3A_243 : vector<96x1x1xi32> to vector<96x16x128xi32>
      %shift_right_logical3A_269 = arith.shrui %shift_right_logical3A_267, %shift_right_logical3A_268 : vector<96x16x128xi32>
      %and3A_270 = arith.constant 31 : i32
      %and3A_271 = vector.broadcast %and3A_270 : i32 to vector<96x16x128xi32>
      %and3A_272 = arith.andi %shift_right_logical3A_269, %and3A_271 : vector<96x16x128xi32>
      %eq3A_273 = vector.broadcast %select_n3A_265 : vector<96x1x1xi32> to vector<96x16x128xi32>
      %eq3A_274 = arith.cmpi eq, %and3A_272, %eq3A_273 : vector<96x16x128xi32>
      %jit3A_275 = arith.constant 1.000000e+00 : f32
      %jit3A_276 = arith.constant 0.000000e+00 : f32
      %broadcast_in_dim3A_277 = vector.broadcast %jit3A_275 : f32 to vector<96x16x128xf32>
      %broadcast_in_dim3A_278 = vector.broadcast %jit3A_276 : f32 to vector<96x16x128xf32>
      %select_n3A_279 = arith.select %eq3A_274, %broadcast_in_dim3A_277, %broadcast_in_dim3A_278 : vector<96x16x128xi1>, vector<96x16x128xf32>
      %convert_element_type3A_280 = arith.truncf %select_n3A_279 : vector<96x16x128xf32> to vector<96x16x128xbf16>
      %slice3A_281 = vector.extract_strided_slice %convert_element_type3A_280 {offsets = [0, 0, 0], sizes = [96, 1, 128], strides = [1, 1, 1]} : vector<96x16x128xbf16> to vector<96x1x128xbf16>
      %squeeze3A_282 = vector.shape_cast %slice3A_281 : vector<96x1x128xbf16> to vector<96x128xbf16>
      %convert_element_type3A_283 = arith.extf %squeeze3A_282 : vector<96x128xbf16> to vector<96x128xf32>
      %add3A_284 = arith.addf %broadcast_in_dim3A_214, %convert_element_type3A_283 : vector<96x128xf32>
      %slice3A_285 = vector.extract_strided_slice %convert_element_type3A_280 {offsets = [0, 1, 0], sizes = [96, 1, 128], strides = [1, 1, 1]} : vector<96x16x128xbf16> to vector<96x1x128xbf16>
      %squeeze3A_286 = vector.shape_cast %slice3A_285 : vector<96x1x128xbf16> to vector<96x128xbf16>
      %convert_element_type3A_287 = arith.extf %squeeze3A_286 : vector<96x128xbf16> to vector<96x128xf32>
      %add3A_288 = arith.addf %add3A_284, %convert_element_type3A_287 : vector<96x128xf32>
      %slice3A_289 = vector.extract_strided_slice %convert_element_type3A_280 {offsets = [0, 2, 0], sizes = [96, 1, 128], strides = [1, 1, 1]} : vector<96x16x128xbf16> to vector<96x1x128xbf16>
      %squeeze3A_290 = vector.shape_cast %slice3A_289 : vector<96x1x128xbf16> to vector<96x128xbf16>
      %convert_element_type3A_291 = arith.extf %squeeze3A_290 : vector<96x128xbf16> to vector<96x128xf32>
      %add3A_292 = arith.addf %add3A_288, %convert_element_type3A_291 : vector<96x128xf32>
      %slice3A_293 = vector.extract_strided_slice %convert_element_type3A_280 {offsets = [0, 3, 0], sizes = [96, 1, 128], strides = [1, 1, 1]} : vector<96x16x128xbf16> to vector<96x1x128xbf16>
      %squeeze3A_294 = vector.shape_cast %slice3A_293 : vector<96x1x128xbf16> to vector<96x128xbf16>
      %convert_element_type3A_295 = arith.extf %squeeze3A_294 : vector<96x128xbf16> to vector<96x128xf32>
      %add3A_296 = arith.addf %add3A_292, %convert_element_type3A_295 : vector<96x128xf32>
      %slice3A_297 = vector.extract_strided_slice %convert_element_type3A_280 {offsets = [0, 4, 0], sizes = [96, 1, 128], strides = [1, 1, 1]} : vector<96x16x128xbf16> to vector<96x1x128xbf16>
      %squeeze3A_298 = vector.shape_cast %slice3A_297 : vector<96x1x128xbf16> to vector<96x128xbf16>
      %convert_element_type3A_299 = arith.extf %squeeze3A_298 : vector<96x128xbf16> to vector<96x128xf32>
      %add3A_300 = arith.addf %add3A_296, %convert_element_type3A_299 : vector<96x128xf32>
      %slice3A_301 = vector.extract_strided_slice %convert_element_type3A_280 {offsets = [0, 5, 0], sizes = [96, 1, 128], strides = [1, 1, 1]} : vector<96x16x128xbf16> to vector<96x1x128xbf16>
      %squeeze3A_302 = vector.shape_cast %slice3A_301 : vector<96x1x128xbf16> to vector<96x128xbf16>
      %convert_element_type3A_303 = arith.extf %squeeze3A_302 : vector<96x128xbf16> to vector<96x128xf32>
      %add3A_304 = arith.addf %add3A_300, %convert_element_type3A_303 : vector<96x128xf32>
      %slice3A_305 = vector.extract_strided_slice %convert_element_type3A_280 {offsets = [0, 6, 0], sizes = [96, 1, 128], strides = [1, 1, 1]} : vector<96x16x128xbf16> to vector<96x1x128xbf16>
      %squeeze3A_306 = vector.shape_cast %slice3A_305 : vector<96x1x128xbf16> to vector<96x128xbf16>
      %convert_element_type3A_307 = arith.extf %squeeze3A_306 : vector<96x128xbf16> to vector<96x128xf32>
      %add3A_308 = arith.addf %add3A_304, %convert_element_type3A_307 : vector<96x128xf32>
      %slice3A_309 = vector.extract_strided_slice %convert_element_type3A_280 {offsets = [0, 7, 0], sizes = [96, 1, 128], strides = [1, 1, 1]} : vector<96x16x128xbf16> to vector<96x1x128xbf16>
      %squeeze3A_310 = vector.shape_cast %slice3A_309 : vector<96x1x128xbf16> to vector<96x128xbf16>
      %convert_element_type3A_311 = arith.extf %squeeze3A_310 : vector<96x128xbf16> to vector<96x128xf32>
      %add3A_312 = arith.addf %add3A_308, %convert_element_type3A_311 : vector<96x128xf32>
      %slice3A_313 = vector.extract_strided_slice %convert_element_type3A_280 {offsets = [0, 8, 0], sizes = [96, 1, 128], strides = [1, 1, 1]} : vector<96x16x128xbf16> to vector<96x1x128xbf16>
      %squeeze3A_314 = vector.shape_cast %slice3A_313 : vector<96x1x128xbf16> to vector<96x128xbf16>
      %convert_element_type3A_315 = arith.extf %squeeze3A_314 : vector<96x128xbf16> to vector<96x128xf32>
      %add3A_316 = arith.addf %add3A_312, %convert_element_type3A_315 : vector<96x128xf32>
      %slice3A_317 = vector.extract_strided_slice %convert_element_type3A_280 {offsets = [0, 9, 0], sizes = [96, 1, 128], strides = [1, 1, 1]} : vector<96x16x128xbf16> to vector<96x1x128xbf16>
      %squeeze3A_318 = vector.shape_cast %slice3A_317 : vector<96x1x128xbf16> to vector<96x128xbf16>
      %convert_element_type3A_319 = arith.extf %squeeze3A_318 : vector<96x128xbf16> to vector<96x128xf32>
      %add3A_320 = arith.addf %add3A_316, %convert_element_type3A_319 : vector<96x128xf32>
      %slice3A_321 = vector.extract_strided_slice %convert_element_type3A_280 {offsets = [0, 10, 0], sizes = [96, 1, 128], strides = [1, 1, 1]} : vector<96x16x128xbf16> to vector<96x1x128xbf16>
      %squeeze3A_322 = vector.shape_cast %slice3A_321 : vector<96x1x128xbf16> to vector<96x128xbf16>
      %convert_element_type3A_323 = arith.extf %squeeze3A_322 : vector<96x128xbf16> to vector<96x128xf32>
      %add3A_324 = arith.addf %add3A_320, %convert_element_type3A_323 : vector<96x128xf32>
      %slice3A_325 = vector.extract_strided_slice %convert_element_type3A_280 {offsets = [0, 11, 0], sizes = [96, 1, 128], strides = [1, 1, 1]} : vector<96x16x128xbf16> to vector<96x1x128xbf16>
      %squeeze3A_326 = vector.shape_cast %slice3A_325 : vector<96x1x128xbf16> to vector<96x128xbf16>
      %convert_element_type3A_327 = arith.extf %squeeze3A_326 : vector<96x128xbf16> to vector<96x128xf32>
      %add3A_328 = arith.addf %add3A_324, %convert_element_type3A_327 : vector<96x128xf32>
      %slice3A_329 = vector.extract_strided_slice %convert_element_type3A_280 {offsets = [0, 12, 0], sizes = [96, 1, 128], strides = [1, 1, 1]} : vector<96x16x128xbf16> to vector<96x1x128xbf16>
      %squeeze3A_330 = vector.shape_cast %slice3A_329 : vector<96x1x128xbf16> to vector<96x128xbf16>
      %convert_element_type3A_331 = arith.extf %squeeze3A_330 : vector<96x128xbf16> to vector<96x128xf32>
      %add3A_332 = arith.addf %add3A_328, %convert_element_type3A_331 : vector<96x128xf32>
      %slice3A_333 = vector.extract_strided_slice %convert_element_type3A_280 {offsets = [0, 13, 0], sizes = [96, 1, 128], strides = [1, 1, 1]} : vector<96x16x128xbf16> to vector<96x1x128xbf16>
      %squeeze3A_334 = vector.shape_cast %slice3A_333 : vector<96x1x128xbf16> to vector<96x128xbf16>
      %convert_element_type3A_335 = arith.extf %squeeze3A_334 : vector<96x128xbf16> to vector<96x128xf32>
      %add3A_336 = arith.addf %add3A_332, %convert_element_type3A_335 : vector<96x128xf32>
      %slice3A_337 = vector.extract_strided_slice %convert_element_type3A_280 {offsets = [0, 14, 0], sizes = [96, 1, 128], strides = [1, 1, 1]} : vector<96x16x128xbf16> to vector<96x1x128xbf16>
      %squeeze3A_338 = vector.shape_cast %slice3A_337 : vector<96x1x128xbf16> to vector<96x128xbf16>
      %convert_element_type3A_339 = arith.extf %squeeze3A_338 : vector<96x128xbf16> to vector<96x128xf32>
      %add3A_340 = arith.addf %add3A_336, %convert_element_type3A_339 : vector<96x128xf32>
      %slice3A_341 = vector.extract_strided_slice %convert_element_type3A_280 {offsets = [0, 15, 0], sizes = [96, 1, 128], strides = [1, 1, 1]} : vector<96x16x128xbf16> to vector<96x1x128xbf16>
      %squeeze3A_342 = vector.shape_cast %slice3A_341 : vector<96x1x128xbf16> to vector<96x128xbf16>
      %convert_element_type3A_343 = arith.extf %squeeze3A_342 : vector<96x128xbf16> to vector<96x128xf32>
      %add3A_344 = arith.addf %add3A_340, %convert_element_type3A_343 : vector<96x128xf32>
      %get3A_345 = arith.constant 2048 : index
      %get3A_346 = arith.constant 0 : index
      %get3A_347 = vector.load %arg1[%get3A_345, %get3A_346] : memref<16384x128xf32, #tpu.memory_space<vmem>>, vector<2048x128xf32>
      %convert_element_type3A_348 = arith.truncf %get3A_347 : vector<2048x128xf32> to vector<2048x128xbf16>
      %dot_general3A_349 = arith.constant dense<0.000000e+00> : vector<1x128xf32>
      %dot_general3A_350 = tpu.matmul %broadcast_in_dim3A_208, %convert_element_type3A_348, %dot_general3A_349 {dimension_numbers = #tpu.dot_dimension_numbers<[1], [0], [0], [1], [0, 0, 1, 1], [], []>, transpose_lhs_hint = false} : vector<1x2048xbf16>, vector<2048x128xbf16>, vector<1x128xf32> -> vector<1x128xf32>
      %add3A_351 = arith.addf %add3A_221, %dot_general3A_350 : vector<1x128xf32>
      %mul3A_352 = arith.mulf %convert_element_type3A_348, %convert_element_type3A_348 : vector<2048x128xbf16>
      %dot_general3A_353 = arith.constant dense<0.000000e+00> : vector<1x128xf32>
      %dot_general3A_354 = tpu.matmul %broadcast_in_dim3A_208, %mul3A_352, %dot_general3A_353 {dimension_numbers = #tpu.dot_dimension_numbers<[1], [0], [0], [1], [0, 0, 1, 1], [], []>, transpose_lhs_hint = false} : vector<1x2048xbf16>, vector<2048x128xbf16>, vector<1x128xf32> -> vector<1x128xf32>
      %add3A_355 = arith.addf %add3A_225, %dot_general3A_354 : vector<1x128xf32>
      %get3A_356 = arith.constant 16 : index
      %get3A_357 = arith.constant 0 : index
      %get3A_358 = vector.load %arg2[%get3A_356, %get3A_357] : memref<128x128xi32, #tpu.memory_space<vmem>>, vector<16x128xi32>
      %iota3A_359 = tpu.iota {dimensions = array<i32: 0>} : vector<96x1x1xi32>
      %lt3A_360 = arith.constant 32 : i32
      %lt3A_361 = vector.broadcast %lt3A_360 : i32 to vector<96x1x1xi32>
      %lt3A_362 = arith.cmpi slt, %iota3A_359, %lt3A_361 : vector<96x1x1xi32>
      %lt3A_363 = arith.constant 64 : i32
      %lt3A_364 = vector.broadcast %lt3A_363 : i32 to vector<96x1x1xi32>
      %lt3A_365 = arith.cmpi slt, %iota3A_359, %lt3A_364 : vector<96x1x1xi32>
      %jit3A_366 = arith.constant 5 : i32
      %jit3A_367 = arith.constant 10 : i32
      %broadcast_in_dim3A_368 = vector.broadcast %jit3A_366 : i32 to vector<96x1x1xi32>
      %broadcast_in_dim3A_369 = vector.broadcast %jit3A_367 : i32 to vector<96x1x1xi32>
      %select_n3A_370 = arith.select %lt3A_365, %broadcast_in_dim3A_368, %broadcast_in_dim3A_369 : vector<96x1x1xi1>, vector<96x1x1xi32>
      %jit3A_371 = arith.constant 0 : i32
      %broadcast_in_dim3A_372 = vector.broadcast %jit3A_371 : i32 to vector<96x1x1xi32>
      %select_n3A_373 = arith.select %lt3A_362, %broadcast_in_dim3A_372, %select_n3A_370 : vector<96x1x1xi1>, vector<96x1x1xi32>
      %jit3A_374 = arith.constant 32 : i32
      %eq3A_375 = arith.constant 0 : i32
      %eq3A_376 = arith.cmpi eq, %jit3A_374, %eq3A_375 : i32
      %jit3A_377 = arith.constant 1 : i32
      %select_n3A_378 = arith.select %eq3A_376, %jit3A_377, %jit3A_374 : i32
      %rem3A_379 = vector.broadcast %select_n3A_378 : i32 to vector<96x1x1xi32>
      %rem3A_380 = arith.remsi %iota3A_359, %rem3A_379 : vector<96x1x1xi32>
      %ne3A_381 = arith.constant 0 : i32
      %ne3A_382 = vector.broadcast %ne3A_381 : i32 to vector<96x1x1xi32>
      %ne3A_383 = arith.cmpi ne, %rem3A_380, %ne3A_382 : vector<96x1x1xi32>
      %lt3A_384 = arith.constant 0 : i32
      %lt3A_385 = vector.broadcast %lt3A_384 : i32 to vector<96x1x1xi32>
      %lt3A_386 = arith.cmpi slt, %rem3A_380, %lt3A_385 : vector<96x1x1xi32>
      %lt3A_387 = arith.constant 0 : i32
      %lt3A_388 = arith.cmpi slt, %select_n3A_378, %lt3A_387 : i32
      %ne3A_389 = vector.broadcast %lt3A_388 : i1 to vector<96x1x1xi1>
      %ne3A_390 = vector.broadcast %ne3A_389 : vector<96x1x1xi1> to vector<96x1x1xi1>
      %ne3A_391 = arith.xori %lt3A_386, %ne3A_390 : vector<96x1x1xi1>
      %and3A_392 = arith.andi %ne3A_391, %ne3A_383 : vector<96x1x1xi1>
      %add3A_393 = vector.broadcast %select_n3A_378 : i32 to vector<96x1x1xi32>
      %add3A_394 = arith.addi %rem3A_380, %add3A_393 : vector<96x1x1xi32>
      %select_n3A_395 = arith.select %and3A_392, %add3A_394, %rem3A_380 : vector<96x1x1xi1>, vector<96x1x1xi32>
      %broadcast_in_dim3A_396 = vector.shape_cast %get3A_358 : vector<16x128xi32> to vector<1x16x128xi32>
      %shift_right_logical3A_397 = vector.broadcast %broadcast_in_dim3A_396 : vector<1x16x128xi32> to vector<96x16x128xi32>
      %shift_right_logical3A_398 = vector.broadcast %select_n3A_373 : vector<96x1x1xi32> to vector<96x16x128xi32>
      %shift_right_logical3A_399 = arith.shrui %shift_right_logical3A_397, %shift_right_logical3A_398 : vector<96x16x128xi32>
      %and3A_400 = arith.constant 31 : i32
      %and3A_401 = vector.broadcast %and3A_400 : i32 to vector<96x16x128xi32>
      %and3A_402 = arith.andi %shift_right_logical3A_399, %and3A_401 : vector<96x16x128xi32>
      %eq3A_403 = vector.broadcast %select_n3A_395 : vector<96x1x1xi32> to vector<96x16x128xi32>
      %eq3A_404 = arith.cmpi eq, %and3A_402, %eq3A_403 : vector<96x16x128xi32>
      %jit3A_405 = arith.constant 1.000000e+00 : f32
      %jit3A_406 = arith.constant 0.000000e+00 : f32
      %broadcast_in_dim3A_407 = vector.broadcast %jit3A_405 : f32 to vector<96x16x128xf32>
      %broadcast_in_dim3A_408 = vector.broadcast %jit3A_406 : f32 to vector<96x16x128xf32>
      %select_n3A_409 = arith.select %eq3A_404, %broadcast_in_dim3A_407, %broadcast_in_dim3A_408 : vector<96x16x128xi1>, vector<96x16x128xf32>
      %convert_element_type3A_410 = arith.truncf %select_n3A_409 : vector<96x16x128xf32> to vector<96x16x128xbf16>
      %slice3A_411 = vector.extract_strided_slice %convert_element_type3A_410 {offsets = [0, 0, 0], sizes = [96, 1, 128], strides = [1, 1, 1]} : vector<96x16x128xbf16> to vector<96x1x128xbf16>
      %squeeze3A_412 = vector.shape_cast %slice3A_411 : vector<96x1x128xbf16> to vector<96x128xbf16>
      %convert_element_type3A_413 = arith.extf %squeeze3A_412 : vector<96x128xbf16> to vector<96x128xf32>
      %add3A_414 = arith.addf %add3A_344, %convert_element_type3A_413 : vector<96x128xf32>
      %slice3A_415 = vector.extract_strided_slice %convert_element_type3A_410 {offsets = [0, 1, 0], sizes = [96, 1, 128], strides = [1, 1, 1]} : vector<96x16x128xbf16> to vector<96x1x128xbf16>
      %squeeze3A_416 = vector.shape_cast %slice3A_415 : vector<96x1x128xbf16> to vector<96x128xbf16>
      %convert_element_type3A_417 = arith.extf %squeeze3A_416 : vector<96x128xbf16> to vector<96x128xf32>
      %add3A_418 = arith.addf %add3A_414, %convert_element_type3A_417 : vector<96x128xf32>
      %slice3A_419 = vector.extract_strided_slice %convert_element_type3A_410 {offsets = [0, 2, 0], sizes = [96, 1, 128], strides = [1, 1, 1]} : vector<96x16x128xbf16> to vector<96x1x128xbf16>
      %squeeze3A_420 = vector.shape_cast %slice3A_419 : vector<96x1x128xbf16> to vector<96x128xbf16>
      %convert_element_type3A_421 = arith.extf %squeeze3A_420 : vector<96x128xbf16> to vector<96x128xf32>
      %add3A_422 = arith.addf %add3A_418, %convert_element_type3A_421 : vector<96x128xf32>
      %slice3A_423 = vector.extract_strided_slice %convert_element_type3A_410 {offsets = [0, 3, 0], sizes = [96, 1, 128], strides = [1, 1, 1]} : vector<96x16x128xbf16> to vector<96x1x128xbf16>
      %squeeze3A_424 = vector.shape_cast %slice3A_423 : vector<96x1x128xbf16> to vector<96x128xbf16>
      %convert_element_type3A_425 = arith.extf %squeeze3A_424 : vector<96x128xbf16> to vector<96x128xf32>
      %add3A_426 = arith.addf %add3A_422, %convert_element_type3A_425 : vector<96x128xf32>
      %slice3A_427 = vector.extract_strided_slice %convert_element_type3A_410 {offsets = [0, 4, 0], sizes = [96, 1, 128], strides = [1, 1, 1]} : vector<96x16x128xbf16> to vector<96x1x128xbf16>
      %squeeze3A_428 = vector.shape_cast %slice3A_427 : vector<96x1x128xbf16> to vector<96x128xbf16>
      %convert_element_type3A_429 = arith.extf %squeeze3A_428 : vector<96x128xbf16> to vector<96x128xf32>
      %add3A_430 = arith.addf %add3A_426, %convert_element_type3A_429 : vector<96x128xf32>
      %slice3A_431 = vector.extract_strided_slice %convert_element_type3A_410 {offsets = [0, 5, 0], sizes = [96, 1, 128], strides = [1, 1, 1]} : vector<96x16x128xbf16> to vector<96x1x128xbf16>
      %squeeze3A_432 = vector.shape_cast %slice3A_431 : vector<96x1x128xbf16> to vector<96x128xbf16>
      %convert_element_type3A_433 = arith.extf %squeeze3A_432 : vector<96x128xbf16> to vector<96x128xf32>
      %add3A_434 = arith.addf %add3A_430, %convert_element_type3A_433 : vector<96x128xf32>
      %slice3A_435 = vector.extract_strided_slice %convert_element_type3A_410 {offsets = [0, 6, 0], sizes = [96, 1, 128], strides = [1, 1, 1]} : vector<96x16x128xbf16> to vector<96x1x128xbf16>
      %squeeze3A_436 = vector.shape_cast %slice3A_435 : vector<96x1x128xbf16> to vector<96x128xbf16>
      %convert_element_type3A_437 = arith.extf %squeeze3A_436 : vector<96x128xbf16> to vector<96x128xf32>
      %add3A_438 = arith.addf %add3A_434, %convert_element_type3A_437 : vector<96x128xf32>
      %slice3A_439 = vector.extract_strided_slice %convert_element_type3A_410 {offsets = [0, 7, 0], sizes = [96, 1, 128], strides = [1, 1, 1]} : vector<96x16x128xbf16> to vector<96x1x128xbf16>
      %squeeze3A_440 = vector.shape_cast %slice3A_439 : vector<96x1x128xbf16> to vector<96x128xbf16>
      %convert_element_type3A_441 = arith.extf %squeeze3A_440 : vector<96x128xbf16> to vector<96x128xf32>
      %add3A_442 = arith.addf %add3A_438, %convert_element_type3A_441 : vector<96x128xf32>
      %slice3A_443 = vector.extract_strided_slice %convert_element_type3A_410 {offsets = [0, 8, 0], sizes = [96, 1, 128], strides = [1, 1, 1]} : vector<96x16x128xbf16> to vector<96x1x128xbf16>
      %squeeze3A_444 = vector.shape_cast %slice3A_443 : vector<96x1x128xbf16> to vector<96x128xbf16>
      %convert_element_type3A_445 = arith.extf %squeeze3A_444 : vector<96x128xbf16> to vector<96x128xf32>
      %add3A_446 = arith.addf %add3A_442, %convert_element_type3A_445 : vector<96x128xf32>
      %slice3A_447 = vector.extract_strided_slice %convert_element_type3A_410 {offsets = [0, 9, 0], sizes = [96, 1, 128], strides = [1, 1, 1]} : vector<96x16x128xbf16> to vector<96x1x128xbf16>
      %squeeze3A_448 = vector.shape_cast %slice3A_447 : vector<96x1x128xbf16> to vector<96x128xbf16>
      %convert_element_type3A_449 = arith.extf %squeeze3A_448 : vector<96x128xbf16> to vector<96x128xf32>
      %add3A_450 = arith.addf %add3A_446, %convert_element_type3A_449 : vector<96x128xf32>
      %slice3A_451 = vector.extract_strided_slice %convert_element_type3A_410 {offsets = [0, 10, 0], sizes = [96, 1, 128], strides = [1, 1, 1]} : vector<96x16x128xbf16> to vector<96x1x128xbf16>
      %squeeze3A_452 = vector.shape_cast %slice3A_451 : vector<96x1x128xbf16> to vector<96x128xbf16>
      %convert_element_type3A_453 = arith.extf %squeeze3A_452 : vector<96x128xbf16> to vector<96x128xf32>
      %add3A_454 = arith.addf %add3A_450, %convert_element_type3A_453 : vector<96x128xf32>
      %slice3A_455 = vector.extract_strided_slice %convert_element_type3A_410 {offsets = [0, 11, 0], sizes = [96, 1, 128], strides = [1, 1, 1]} : vector<96x16x128xbf16> to vector<96x1x128xbf16>
      %squeeze3A_456 = vector.shape_cast %slice3A_455 : vector<96x1x128xbf16> to vector<96x128xbf16>
      %convert_element_type3A_457 = arith.extf %squeeze3A_456 : vector<96x128xbf16> to vector<96x128xf32>
      %add3A_458 = arith.addf %add3A_454, %convert_element_type3A_457 : vector<96x128xf32>
      %slice3A_459 = vector.extract_strided_slice %convert_element_type3A_410 {offsets = [0, 12, 0], sizes = [96, 1, 128], strides = [1, 1, 1]} : vector<96x16x128xbf16> to vector<96x1x128xbf16>
      %squeeze3A_460 = vector.shape_cast %slice3A_459 : vector<96x1x128xbf16> to vector<96x128xbf16>
      %convert_element_type3A_461 = arith.extf %squeeze3A_460 : vector<96x128xbf16> to vector<96x128xf32>
      %add3A_462 = arith.addf %add3A_458, %convert_element_type3A_461 : vector<96x128xf32>
      %slice3A_463 = vector.extract_strided_slice %convert_element_type3A_410 {offsets = [0, 13, 0], sizes = [96, 1, 128], strides = [1, 1, 1]} : vector<96x16x128xbf16> to vector<96x1x128xbf16>
      %squeeze3A_464 = vector.shape_cast %slice3A_463 : vector<96x1x128xbf16> to vector<96x128xbf16>
      %convert_element_type3A_465 = arith.extf %squeeze3A_464 : vector<96x128xbf16> to vector<96x128xf32>
      %add3A_466 = arith.addf %add3A_462, %convert_element_type3A_465 : vector<96x128xf32>
      %slice3A_467 = vector.extract_strided_slice %convert_element_type3A_410 {offsets = [0, 14, 0], sizes = [96, 1, 128], strides = [1, 1, 1]} : vector<96x16x128xbf16> to vector<96x1x128xbf16>
      %squeeze3A_468 = vector.shape_cast %slice3A_467 : vector<96x1x128xbf16> to vector<96x128xbf16>
      %convert_element_type3A_469 = arith.extf %squeeze3A_468 : vector<96x128xbf16> to vector<96x128xf32>
      %add3A_470 = arith.addf %add3A_466, %convert_element_type3A_469 : vector<96x128xf32>
      %slice3A_471 = vector.extract_strided_slice %convert_element_type3A_410 {offsets = [0, 15, 0], sizes = [96, 1, 128], strides = [1, 1, 1]} : vector<96x16x128xbf16> to vector<96x1x128xbf16>
      %squeeze3A_472 = vector.shape_cast %slice3A_471 : vector<96x1x128xbf16> to vector<96x128xbf16>
      %convert_element_type3A_473 = arith.extf %squeeze3A_472 : vector<96x128xbf16> to vector<96x128xf32>
      %add3A_474 = arith.addf %add3A_470, %convert_element_type3A_473 : vector<96x128xf32>
      %get3A_475 = arith.constant 4096 : index
      %get3A_476 = arith.constant 0 : index
      %get3A_477 = vector.load %arg1[%get3A_475, %get3A_476] : memref<16384x128xf32, #tpu.memory_space<vmem>>, vector<2048x128xf32>
      %convert_element_type3A_478 = arith.truncf %get3A_477 : vector<2048x128xf32> to vector<2048x128xbf16>
      %dot_general3A_479 = arith.constant dense<0.000000e+00> : vector<1x128xf32>
      %dot_general3A_480 = tpu.matmul %broadcast_in_dim3A_208, %convert_element_type3A_478, %dot_general3A_479 {dimension_numbers = #tpu.dot_dimension_numbers<[1], [0], [0], [1], [0, 0, 1, 1], [], []>, transpose_lhs_hint = false} : vector<1x2048xbf16>, vector<2048x128xbf16>, vector<1x128xf32> -> vector<1x128xf32>
      %add3A_481 = arith.addf %add3A_351, %dot_general3A_480 : vector<1x128xf32>
      %mul3A_482 = arith.mulf %convert_element_type3A_478, %convert_element_type3A_478 : vector<2048x128xbf16>
      %dot_general3A_483 = arith.constant dense<0.000000e+00> : vector<1x128xf32>
      %dot_general3A_484 = tpu.matmul %broadcast_in_dim3A_208, %mul3A_482, %dot_general3A_483 {dimension_numbers = #tpu.dot_dimension_numbers<[1], [0], [0], [1], [0, 0, 1, 1], [], []>, transpose_lhs_hint = false} : vector<1x2048xbf16>, vector<2048x128xbf16>, vector<1x128xf32> -> vector<1x128xf32>
      %add3A_485 = arith.addf %add3A_355, %dot_general3A_484 : vector<1x128xf32>
      %get3A_486 = arith.constant 32 : index
      %get3A_487 = arith.constant 0 : index
      %get3A_488 = vector.load %arg2[%get3A_486, %get3A_487] : memref<128x128xi32, #tpu.memory_space<vmem>>, vector<16x128xi32>
      %iota3A_489 = tpu.iota {dimensions = array<i32: 0>} : vector<96x1x1xi32>
      %lt3A_490 = arith.constant 32 : i32
      %lt3A_491 = vector.broadcast %lt3A_490 : i32 to vector<96x1x1xi32>
      %lt3A_492 = arith.cmpi slt, %iota3A_489, %lt3A_491 : vector<96x1x1xi32>
      %lt3A_493 = arith.constant 64 : i32
      %lt3A_494 = vector.broadcast %lt3A_493 : i32 to vector<96x1x1xi32>
      %lt3A_495 = arith.cmpi slt, %iota3A_489, %lt3A_494 : vector<96x1x1xi32>
      %jit3A_496 = arith.constant 5 : i32
      %jit3A_497 = arith.constant 10 : i32
      %broadcast_in_dim3A_498 = vector.broadcast %jit3A_496 : i32 to vector<96x1x1xi32>
      %broadcast_in_dim3A_499 = vector.broadcast %jit3A_497 : i32 to vector<96x1x1xi32>
      %select_n3A_500 = arith.select %lt3A_495, %broadcast_in_dim3A_498, %broadcast_in_dim3A_499 : vector<96x1x1xi1>, vector<96x1x1xi32>
      %jit3A_501 = arith.constant 0 : i32
      %broadcast_in_dim3A_502 = vector.broadcast %jit3A_501 : i32 to vector<96x1x1xi32>
      %select_n3A_503 = arith.select %lt3A_492, %broadcast_in_dim3A_502, %select_n3A_500 : vector<96x1x1xi1>, vector<96x1x1xi32>
      %jit3A_504 = arith.constant 32 : i32
      %eq3A_505 = arith.constant 0 : i32
      %eq3A_506 = arith.cmpi eq, %jit3A_504, %eq3A_505 : i32
      %jit3A_507 = arith.constant 1 : i32
      %select_n3A_508 = arith.select %eq3A_506, %jit3A_507, %jit3A_504 : i32
      %rem3A_509 = vector.broadcast %select_n3A_508 : i32 to vector<96x1x1xi32>
      %rem3A_510 = arith.remsi %iota3A_489, %rem3A_509 : vector<96x1x1xi32>
      %ne3A_511 = arith.constant 0 : i32
      %ne3A_512 = vector.broadcast %ne3A_511 : i32 to vector<96x1x1xi32>
      %ne3A_513 = arith.cmpi ne, %rem3A_510, %ne3A_512 : vector<96x1x1xi32>
      %lt3A_514 = arith.constant 0 : i32
      %lt3A_515 = vector.broadcast %lt3A_514 : i32 to vector<96x1x1xi32>
      %lt3A_516 = arith.cmpi slt, %rem3A_510, %lt3A_515 : vector<96x1x1xi32>
      %lt3A_517 = arith.constant 0 : i32
      %lt3A_518 = arith.cmpi slt, %select_n3A_508, %lt3A_517 : i32
      %ne3A_519 = vector.broadcast %lt3A_518 : i1 to vector<96x1x1xi1>
      %ne3A_520 = vector.broadcast %ne3A_519 : vector<96x1x1xi1> to vector<96x1x1xi1>
      %ne3A_521 = arith.xori %lt3A_516, %ne3A_520 : vector<96x1x1xi1>
      %and3A_522 = arith.andi %ne3A_521, %ne3A_513 : vector<96x1x1xi1>
      %add3A_523 = vector.broadcast %select_n3A_508 : i32 to vector<96x1x1xi32>
      %add3A_524 = arith.addi %rem3A_510, %add3A_523 : vector<96x1x1xi32>
      %select_n3A_525 = arith.select %and3A_522, %add3A_524, %rem3A_510 : vector<96x1x1xi1>, vector<96x1x1xi32>
      %broadcast_in_dim3A_526 = vector.shape_cast %get3A_488 : vector<16x128xi32> to vector<1x16x128xi32>
      %shift_right_logical3A_527 = vector.broadcast %broadcast_in_dim3A_526 : vector<1x16x128xi32> to vector<96x16x128xi32>
      %shift_right_logical3A_528 = vector.broadcast %select_n3A_503 : vector<96x1x1xi32> to vector<96x16x128xi32>
      %shift_right_logical3A_529 = arith.shrui %shift_right_logical3A_527, %shift_right_logical3A_528 : vector<96x16x128xi32>
      %and3A_530 = arith.constant 31 : i32
      %and3A_531 = vector.broadcast %and3A_530 : i32 to vector<96x16x128xi32>
      %and3A_532 = arith.andi %shift_right_logical3A_529, %and3A_531 : vector<96x16x128xi32>
      %eq3A_533 = vector.broadcast %select_n3A_525 : vector<96x1x1xi32> to vector<96x16x128xi32>
      %eq3A_534 = arith.cmpi eq, %and3A_532, %eq3A_533 : vector<96x16x128xi32>
      %jit3A_535 = arith.constant 1.000000e+00 : f32
      %jit3A_536 = arith.constant 0.000000e+00 : f32
      %broadcast_in_dim3A_537 = vector.broadcast %jit3A_535 : f32 to vector<96x16x128xf32>
      %broadcast_in_dim3A_538 = vector.broadcast %jit3A_536 : f32 to vector<96x16x128xf32>
      %select_n3A_539 = arith.select %eq3A_534, %broadcast_in_dim3A_537, %broadcast_in_dim3A_538 : vector<96x16x128xi1>, vector<96x16x128xf32>
      %convert_element_type3A_540 = arith.truncf %select_n3A_539 : vector<96x16x128xf32> to vector<96x16x128xbf16>
      %slice3A_541 = vector.extract_strided_slice %convert_element_type3A_540 {offsets = [0, 0, 0], sizes = [96, 1, 128], strides = [1, 1, 1]} : vector<96x16x128xbf16> to vector<96x1x128xbf16>
      %squeeze3A_542 = vector.shape_cast %slice3A_541 : vector<96x1x128xbf16> to vector<96x128xbf16>
      %convert_element_type3A_543 = arith.extf %squeeze3A_542 : vector<96x128xbf16> to vector<96x128xf32>
      %add3A_544 = arith.addf %add3A_474, %convert_element_type3A_543 : vector<96x128xf32>
      %slice3A_545 = vector.extract_strided_slice %convert_element_type3A_540 {offsets = [0, 1, 0], sizes = [96, 1, 128], strides = [1, 1, 1]} : vector<96x16x128xbf16> to vector<96x1x128xbf16>
      %squeeze3A_546 = vector.shape_cast %slice3A_545 : vector<96x1x128xbf16> to vector<96x128xbf16>
      %convert_element_type3A_547 = arith.extf %squeeze3A_546 : vector<96x128xbf16> to vector<96x128xf32>
      %add3A_548 = arith.addf %add3A_544, %convert_element_type3A_547 : vector<96x128xf32>
      %slice3A_549 = vector.extract_strided_slice %convert_element_type3A_540 {offsets = [0, 2, 0], sizes = [96, 1, 128], strides = [1, 1, 1]} : vector<96x16x128xbf16> to vector<96x1x128xbf16>
      %squeeze3A_550 = vector.shape_cast %slice3A_549 : vector<96x1x128xbf16> to vector<96x128xbf16>
      %convert_element_type3A_551 = arith.extf %squeeze3A_550 : vector<96x128xbf16> to vector<96x128xf32>
      %add3A_552 = arith.addf %add3A_548, %convert_element_type3A_551 : vector<96x128xf32>
      %slice3A_553 = vector.extract_strided_slice %convert_element_type3A_540 {offsets = [0, 3, 0], sizes = [96, 1, 128], strides = [1, 1, 1]} : vector<96x16x128xbf16> to vector<96x1x128xbf16>
      %squeeze3A_554 = vector.shape_cast %slice3A_553 : vector<96x1x128xbf16> to vector<96x128xbf16>
      %convert_element_type3A_555 = arith.extf %squeeze3A_554 : vector<96x128xbf16> to vector<96x128xf32>
      %add3A_556 = arith.addf %add3A_552, %convert_element_type3A_555 : vector<96x128xf32>
      %slice3A_557 = vector.extract_strided_slice %convert_element_type3A_540 {offsets = [0, 4, 0], sizes = [96, 1, 128], strides = [1, 1, 1]} : vector<96x16x128xbf16> to vector<96x1x128xbf16>
      %squeeze3A_558 = vector.shape_cast %slice3A_557 : vector<96x1x128xbf16> to vector<96x128xbf16>
      %convert_element_type3A_559 = arith.extf %squeeze3A_558 : vector<96x128xbf16> to vector<96x128xf32>
      %add3A_560 = arith.addf %add3A_556, %convert_element_type3A_559 : vector<96x128xf32>
      %slice3A_561 = vector.extract_strided_slice %convert_element_type3A_540 {offsets = [0, 5, 0], sizes = [96, 1, 128], strides = [1, 1, 1]} : vector<96x16x128xbf16> to vector<96x1x128xbf16>
      %squeeze3A_562 = vector.shape_cast %slice3A_561 : vector<96x1x128xbf16> to vector<96x128xbf16>
      %convert_element_type3A_563 = arith.extf %squeeze3A_562 : vector<96x128xbf16> to vector<96x128xf32>
      %add3A_564 = arith.addf %add3A_560, %convert_element_type3A_563 : vector<96x128xf32>
      %slice3A_565 = vector.extract_strided_slice %convert_element_type3A_540 {offsets = [0, 6, 0], sizes = [96, 1, 128], strides = [1, 1, 1]} : vector<96x16x128xbf16> to vector<96x1x128xbf16>
      %squeeze3A_566 = vector.shape_cast %slice3A_565 : vector<96x1x128xbf16> to vector<96x128xbf16>
      %convert_element_type3A_567 = arith.extf %squeeze3A_566 : vector<96x128xbf16> to vector<96x128xf32>
      %add3A_568 = arith.addf %add3A_564, %convert_element_type3A_567 : vector<96x128xf32>
      %slice3A_569 = vector.extract_strided_slice %convert_element_type3A_540 {offsets = [0, 7, 0], sizes = [96, 1, 128], strides = [1, 1, 1]} : vector<96x16x128xbf16> to vector<96x1x128xbf16>
      %squeeze3A_570 = vector.shape_cast %slice3A_569 : vector<96x1x128xbf16> to vector<96x128xbf16>
      %convert_element_type3A_571 = arith.extf %squeeze3A_570 : vector<96x128xbf16> to vector<96x128xf32>
      %add3A_572 = arith.addf %add3A_568, %convert_element_type3A_571 : vector<96x128xf32>
      %slice3A_573 = vector.extract_strided_slice %convert_element_type3A_540 {offsets = [0, 8, 0], sizes = [96, 1, 128], strides = [1, 1, 1]} : vector<96x16x128xbf16> to vector<96x1x128xbf16>
      %squeeze3A_574 = vector.shape_cast %slice3A_573 : vector<96x1x128xbf16> to vector<96x128xbf16>
      %convert_element_type3A_575 = arith.extf %squeeze3A_574 : vector<96x128xbf16> to vector<96x128xf32>
      %add3A_576 = arith.addf %add3A_572, %convert_element_type3A_575 : vector<96x128xf32>
      %slice3A_577 = vector.extract_strided_slice %convert_element_type3A_540 {offsets = [0, 9, 0], sizes = [96, 1, 128], strides = [1, 1, 1]} : vector<96x16x128xbf16> to vector<96x1x128xbf16>
      %squeeze3A_578 = vector.shape_cast %slice3A_577 : vector<96x1x128xbf16> to vector<96x128xbf16>
      %convert_element_type3A_579 = arith.extf %squeeze3A_578 : vector<96x128xbf16> to vector<96x128xf32>
      %add3A_580 = arith.addf %add3A_576, %convert_element_type3A_579 : vector<96x128xf32>
      %slice3A_581 = vector.extract_strided_slice %convert_element_type3A_540 {offsets = [0, 10, 0], sizes = [96, 1, 128], strides = [1, 1, 1]} : vector<96x16x128xbf16> to vector<96x1x128xbf16>
      %squeeze3A_582 = vector.shape_cast %slice3A_581 : vector<96x1x128xbf16> to vector<96x128xbf16>
      %convert_element_type3A_583 = arith.extf %squeeze3A_582 : vector<96x128xbf16> to vector<96x128xf32>
      %add3A_584 = arith.addf %add3A_580, %convert_element_type3A_583 : vector<96x128xf32>
      %slice3A_585 = vector.extract_strided_slice %convert_element_type3A_540 {offsets = [0, 11, 0], sizes = [96, 1, 128], strides = [1, 1, 1]} : vector<96x16x128xbf16> to vector<96x1x128xbf16>
      %squeeze3A_586 = vector.shape_cast %slice3A_585 : vector<96x1x128xbf16> to vector<96x128xbf16>
      %convert_element_type3A_587 = arith.extf %squeeze3A_586 : vector<96x128xbf16> to vector<96x128xf32>
      %add3A_588 = arith.addf %add3A_584, %convert_element_type3A_587 : vector<96x128xf32>
      %slice3A_589 = vector.extract_strided_slice %convert_element_type3A_540 {offsets = [0, 12, 0], sizes = [96, 1, 128], strides = [1, 1, 1]} : vector<96x16x128xbf16> to vector<96x1x128xbf16>
      %squeeze3A_590 = vector.shape_cast %slice3A_589 : vector<96x1x128xbf16> to vector<96x128xbf16>
      %convert_element_type3A_591 = arith.extf %squeeze3A_590 : vector<96x128xbf16> to vector<96x128xf32>
      %add3A_592 = arith.addf %add3A_588, %convert_element_type3A_591 : vector<96x128xf32>
      %slice3A_593 = vector.extract_strided_slice %convert_element_type3A_540 {offsets = [0, 13, 0], sizes = [96, 1, 128], strides = [1, 1, 1]} : vector<96x16x128xbf16> to vector<96x1x128xbf16>
      %squeeze3A_594 = vector.shape_cast %slice3A_593 : vector<96x1x128xbf16> to vector<96x128xbf16>
      %convert_element_type3A_595 = arith.extf %squeeze3A_594 : vector<96x128xbf16> to vector<96x128xf32>
      %add3A_596 = arith.addf %add3A_592, %convert_element_type3A_595 : vector<96x128xf32>
      %slice3A_597 = vector.extract_strided_slice %convert_element_type3A_540 {offsets = [0, 14, 0], sizes = [96, 1, 128], strides = [1, 1, 1]} : vector<96x16x128xbf16> to vector<96x1x128xbf16>
      %squeeze3A_598 = vector.shape_cast %slice3A_597 : vector<96x1x128xbf16> to vector<96x128xbf16>
      %convert_element_type3A_599 = arith.extf %squeeze3A_598 : vector<96x128xbf16> to vector<96x128xf32>
      %add3A_600 = arith.addf %add3A_596, %convert_element_type3A_599 : vector<96x128xf32>
      %slice3A_601 = vector.extract_strided_slice %convert_element_type3A_540 {offsets = [0, 15, 0], sizes = [96, 1, 128], strides = [1, 1, 1]} : vector<96x16x128xbf16> to vector<96x1x128xbf16>
      %squeeze3A_602 = vector.shape_cast %slice3A_601 : vector<96x1x128xbf16> to vector<96x128xbf16>
      %convert_element_type3A_603 = arith.extf %squeeze3A_602 : vector<96x128xbf16> to vector<96x128xf32>
      %add3A_604 = arith.addf %add3A_600, %convert_element_type3A_603 : vector<96x128xf32>
      %get3A_605 = arith.constant 6144 : index
      %get3A_606 = arith.constant 0 : index
      %get3A_607 = vector.load %arg1[%get3A_605, %get3A_606] : memref<16384x128xf32, #tpu.memory_space<vmem>>, vector<2048x128xf32>
      %convert_element_type3A_608 = arith.truncf %get3A_607 : vector<2048x128xf32> to vector<2048x128xbf16>
      %dot_general3A_609 = arith.constant dense<0.000000e+00> : vector<1x128xf32>
      %dot_general3A_610 = tpu.matmul %broadcast_in_dim3A_208, %convert_element_type3A_608, %dot_general3A_609 {dimension_numbers = #tpu.dot_dimension_numbers<[1], [0], [0], [1], [0, 0, 1, 1], [], []>, transpose_lhs_hint = false} : vector<1x2048xbf16>, vector<2048x128xbf16>, vector<1x128xf32> -> vector<1x128xf32>
      %add3A_611 = arith.addf %add3A_481, %dot_general3A_610 : vector<1x128xf32>
      %mul3A_612 = arith.mulf %convert_element_type3A_608, %convert_element_type3A_608 : vector<2048x128xbf16>
      %dot_general3A_613 = arith.constant dense<0.000000e+00> : vector<1x128xf32>
      %dot_general3A_614 = tpu.matmul %broadcast_in_dim3A_208, %mul3A_612, %dot_general3A_613 {dimension_numbers = #tpu.dot_dimension_numbers<[1], [0], [0], [1], [0, 0, 1, 1], [], []>, transpose_lhs_hint = false} : vector<1x2048xbf16>, vector<2048x128xbf16>, vector<1x128xf32> -> vector<1x128xf32>
      %add3A_615 = arith.addf %add3A_485, %dot_general3A_614 : vector<1x128xf32>
      %get3A_616 = arith.constant 48 : index
      %get3A_617 = arith.constant 0 : index
      %get3A_618 = vector.load %arg2[%get3A_616, %get3A_617] : memref<128x128xi32, #tpu.memory_space<vmem>>, vector<16x128xi32>
      %iota3A_619 = tpu.iota {dimensions = array<i32: 0>} : vector<96x1x1xi32>
      %lt3A_620 = arith.constant 32 : i32
      %lt3A_621 = vector.broadcast %lt3A_620 : i32 to vector<96x1x1xi32>
      %lt3A_622 = arith.cmpi slt, %iota3A_619, %lt3A_621 : vector<96x1x1xi32>
      %lt3A_623 = arith.constant 64 : i32
      %lt3A_624 = vector.broadcast %lt3A_623 : i32 to vector<96x1x1xi32>
      %lt3A_625 = arith.cmpi slt, %iota3A_619, %lt3A_624 : vector<96x1x1xi32>
      %jit3A_626 = arith.constant 5 : i32
      %jit3A_627 = arith.constant 10 : i32
      %broadcast_in_dim3A_628 = vector.broadcast %jit3A_626 : i32 to vector<96x1x1xi32>
      %broadcast_in_dim3A_629 = vector.broadcast %jit3A_627 : i32 to vector<96x1x1xi32>
      %select_n3A_630 = arith.select %lt3A_625, %broadcast_in_dim3A_628, %broadcast_in_dim3A_629 : vector<96x1x1xi1>, vector<96x1x1xi32>
      %jit3A_631 = arith.constant 0 : i32
      %broadcast_in_dim3A_632 = vector.broadcast %jit3A_631 : i32 to vector<96x1x1xi32>
      %select_n3A_633 = arith.select %lt3A_622, %broadcast_in_dim3A_632, %select_n3A_630 : vector<96x1x1xi1>, vector<96x1x1xi32>
      %jit3A_634 = arith.constant 32 : i32
      %eq3A_635 = arith.constant 0 : i32
      %eq3A_636 = arith.cmpi eq, %jit3A_634, %eq3A_635 : i32
      %jit3A_637 = arith.constant 1 : i32
      %select_n3A_638 = arith.select %eq3A_636, %jit3A_637, %jit3A_634 : i32
      %rem3A_639 = vector.broadcast %select_n3A_638 : i32 to vector<96x1x1xi32>
      %rem3A_640 = arith.remsi %iota3A_619, %rem3A_639 : vector<96x1x1xi32>
      %ne3A_641 = arith.constant 0 : i32
      %ne3A_642 = vector.broadcast %ne3A_641 : i32 to vector<96x1x1xi32>
      %ne3A_643 = arith.cmpi ne, %rem3A_640, %ne3A_642 : vector<96x1x1xi32>
      %lt3A_644 = arith.constant 0 : i32
      %lt3A_645 = vector.broadcast %lt3A_644 : i32 to vector<96x1x1xi32>
      %lt3A_646 = arith.cmpi slt, %rem3A_640, %lt3A_645 : vector<96x1x1xi32>
      %lt3A_647 = arith.constant 0 : i32
      %lt3A_648 = arith.cmpi slt, %select_n3A_638, %lt3A_647 : i32
      %ne3A_649 = vector.broadcast %lt3A_648 : i1 to vector<96x1x1xi1>
      %ne3A_650 = vector.broadcast %ne3A_649 : vector<96x1x1xi1> to vector<96x1x1xi1>
      %ne3A_651 = arith.xori %lt3A_646, %ne3A_650 : vector<96x1x1xi1>
      %and3A_652 = arith.andi %ne3A_651, %ne3A_643 : vector<96x1x1xi1>
      %add3A_653 = vector.broadcast %select_n3A_638 : i32 to vector<96x1x1xi32>
      %add3A_654 = arith.addi %rem3A_640, %add3A_653 : vector<96x1x1xi32>
      %select_n3A_655 = arith.select %and3A_652, %add3A_654, %rem3A_640 : vector<96x1x1xi1>, vector<96x1x1xi32>
      %broadcast_in_dim3A_656 = vector.shape_cast %get3A_618 : vector<16x128xi32> to vector<1x16x128xi32>
      %shift_right_logical3A_657 = vector.broadcast %broadcast_in_dim3A_656 : vector<1x16x128xi32> to vector<96x16x128xi32>
      %shift_right_logical3A_658 = vector.broadcast %select_n3A_633 : vector<96x1x1xi32> to vector<96x16x128xi32>
      %shift_right_logical3A_659 = arith.shrui %shift_right_logical3A_657, %shift_right_logical3A_658 : vector<96x16x128xi32>
      %and3A_660 = arith.constant 31 : i32
      %and3A_661 = vector.broadcast %and3A_660 : i32 to vector<96x16x128xi32>
      %and3A_662 = arith.andi %shift_right_logical3A_659, %and3A_661 : vector<96x16x128xi32>
      %eq3A_663 = vector.broadcast %select_n3A_655 : vector<96x1x1xi32> to vector<96x16x128xi32>
      %eq3A_664 = arith.cmpi eq, %and3A_662, %eq3A_663 : vector<96x16x128xi32>
      %jit3A_665 = arith.constant 1.000000e+00 : f32
      %jit3A_666 = arith.constant 0.000000e+00 : f32
      %broadcast_in_dim3A_667 = vector.broadcast %jit3A_665 : f32 to vector<96x16x128xf32>
      %broadcast_in_dim3A_668 = vector.broadcast %jit3A_666 : f32 to vector<96x16x128xf32>
      %select_n3A_669 = arith.select %eq3A_664, %broadcast_in_dim3A_667, %broadcast_in_dim3A_668 : vector<96x16x128xi1>, vector<96x16x128xf32>
      %convert_element_type3A_670 = arith.truncf %select_n3A_669 : vector<96x16x128xf32> to vector<96x16x128xbf16>
      %slice3A_671 = vector.extract_strided_slice %convert_element_type3A_670 {offsets = [0, 0, 0], sizes = [96, 1, 128], strides = [1, 1, 1]} : vector<96x16x128xbf16> to vector<96x1x128xbf16>
      %squeeze3A_672 = vector.shape_cast %slice3A_671 : vector<96x1x128xbf16> to vector<96x128xbf16>
      %convert_element_type3A_673 = arith.extf %squeeze3A_672 : vector<96x128xbf16> to vector<96x128xf32>
      %add3A_674 = arith.addf %add3A_604, %convert_element_type3A_673 : vector<96x128xf32>
      %slice3A_675 = vector.extract_strided_slice %convert_element_type3A_670 {offsets = [0, 1, 0], sizes = [96, 1, 128], strides = [1, 1, 1]} : vector<96x16x128xbf16> to vector<96x1x128xbf16>
      %squeeze3A_676 = vector.shape_cast %slice3A_675 : vector<96x1x128xbf16> to vector<96x128xbf16>
      %convert_element_type3A_677 = arith.extf %squeeze3A_676 : vector<96x128xbf16> to vector<96x128xf32>
      %add3A_678 = arith.addf %add3A_674, %convert_element_type3A_677 : vector<96x128xf32>
      %slice3A_679 = vector.extract_strided_slice %convert_element_type3A_670 {offsets = [0, 2, 0], sizes = [96, 1, 128], strides = [1, 1, 1]} : vector<96x16x128xbf16> to vector<96x1x128xbf16>
      %squeeze3A_680 = vector.shape_cast %slice3A_679 : vector<96x1x128xbf16> to vector<96x128xbf16>
      %convert_element_type3A_681 = arith.extf %squeeze3A_680 : vector<96x128xbf16> to vector<96x128xf32>
      %add3A_682 = arith.addf %add3A_678, %convert_element_type3A_681 : vector<96x128xf32>
      %slice3A_683 = vector.extract_strided_slice %convert_element_type3A_670 {offsets = [0, 3, 0], sizes = [96, 1, 128], strides = [1, 1, 1]} : vector<96x16x128xbf16> to vector<96x1x128xbf16>
      %squeeze3A_684 = vector.shape_cast %slice3A_683 : vector<96x1x128xbf16> to vector<96x128xbf16>
      %convert_element_type3A_685 = arith.extf %squeeze3A_684 : vector<96x128xbf16> to vector<96x128xf32>
      %add3A_686 = arith.addf %add3A_682, %convert_element_type3A_685 : vector<96x128xf32>
      %slice3A_687 = vector.extract_strided_slice %convert_element_type3A_670 {offsets = [0, 4, 0], sizes = [96, 1, 128], strides = [1, 1, 1]} : vector<96x16x128xbf16> to vector<96x1x128xbf16>
      %squeeze3A_688 = vector.shape_cast %slice3A_687 : vector<96x1x128xbf16> to vector<96x128xbf16>
      %convert_element_type3A_689 = arith.extf %squeeze3A_688 : vector<96x128xbf16> to vector<96x128xf32>
      %add3A_690 = arith.addf %add3A_686, %convert_element_type3A_689 : vector<96x128xf32>
      %slice3A_691 = vector.extract_strided_slice %convert_element_type3A_670 {offsets = [0, 5, 0], sizes = [96, 1, 128], strides = [1, 1, 1]} : vector<96x16x128xbf16> to vector<96x1x128xbf16>
      %squeeze3A_692 = vector.shape_cast %slice3A_691 : vector<96x1x128xbf16> to vector<96x128xbf16>
      %convert_element_type3A_693 = arith.extf %squeeze3A_692 : vector<96x128xbf16> to vector<96x128xf32>
      %add3A_694 = arith.addf %add3A_690, %convert_element_type3A_693 : vector<96x128xf32>
      %slice3A_695 = vector.extract_strided_slice %convert_element_type3A_670 {offsets = [0, 6, 0], sizes = [96, 1, 128], strides = [1, 1, 1]} : vector<96x16x128xbf16> to vector<96x1x128xbf16>
      %squeeze3A_696 = vector.shape_cast %slice3A_695 : vector<96x1x128xbf16> to vector<96x128xbf16>
      %convert_element_type3A_697 = arith.extf %squeeze3A_696 : vector<96x128xbf16> to vector<96x128xf32>
      %add3A_698 = arith.addf %add3A_694, %convert_element_type3A_697 : vector<96x128xf32>
      %slice3A_699 = vector.extract_strided_slice %convert_element_type3A_670 {offsets = [0, 7, 0], sizes = [96, 1, 128], strides = [1, 1, 1]} : vector<96x16x128xbf16> to vector<96x1x128xbf16>
      %squeeze3A_700 = vector.shape_cast %slice3A_699 : vector<96x1x128xbf16> to vector<96x128xbf16>
      %convert_element_type3A_701 = arith.extf %squeeze3A_700 : vector<96x128xbf16> to vector<96x128xf32>
      %add3A_702 = arith.addf %add3A_698, %convert_element_type3A_701 : vector<96x128xf32>
      %slice3A_703 = vector.extract_strided_slice %convert_element_type3A_670 {offsets = [0, 8, 0], sizes = [96, 1, 128], strides = [1, 1, 1]} : vector<96x16x128xbf16> to vector<96x1x128xbf16>
      %squeeze3A_704 = vector.shape_cast %slice3A_703 : vector<96x1x128xbf16> to vector<96x128xbf16>
      %convert_element_type3A_705 = arith.extf %squeeze3A_704 : vector<96x128xbf16> to vector<96x128xf32>
      %add3A_706 = arith.addf %add3A_702, %convert_element_type3A_705 : vector<96x128xf32>
      %slice3A_707 = vector.extract_strided_slice %convert_element_type3A_670 {offsets = [0, 9, 0], sizes = [96, 1, 128], strides = [1, 1, 1]} : vector<96x16x128xbf16> to vector<96x1x128xbf16>
      %squeeze3A_708 = vector.shape_cast %slice3A_707 : vector<96x1x128xbf16> to vector<96x128xbf16>
      %convert_element_type3A_709 = arith.extf %squeeze3A_708 : vector<96x128xbf16> to vector<96x128xf32>
      %add3A_710 = arith.addf %add3A_706, %convert_element_type3A_709 : vector<96x128xf32>
      %slice3A_711 = vector.extract_strided_slice %convert_element_type3A_670 {offsets = [0, 10, 0], sizes = [96, 1, 128], strides = [1, 1, 1]} : vector<96x16x128xbf16> to vector<96x1x128xbf16>
      %squeeze3A_712 = vector.shape_cast %slice3A_711 : vector<96x1x128xbf16> to vector<96x128xbf16>
      %convert_element_type3A_713 = arith.extf %squeeze3A_712 : vector<96x128xbf16> to vector<96x128xf32>
      %add3A_714 = arith.addf %add3A_710, %convert_element_type3A_713 : vector<96x128xf32>
      %slice3A_715 = vector.extract_strided_slice %convert_element_type3A_670 {offsets = [0, 11, 0], sizes = [96, 1, 128], strides = [1, 1, 1]} : vector<96x16x128xbf16> to vector<96x1x128xbf16>
      %squeeze3A_716 = vector.shape_cast %slice3A_715 : vector<96x1x128xbf16> to vector<96x128xbf16>
      %convert_element_type3A_717 = arith.extf %squeeze3A_716 : vector<96x128xbf16> to vector<96x128xf32>
      %add3A_718 = arith.addf %add3A_714, %convert_element_type3A_717 : vector<96x128xf32>
      %slice3A_719 = vector.extract_strided_slice %convert_element_type3A_670 {offsets = [0, 12, 0], sizes = [96, 1, 128], strides = [1, 1, 1]} : vector<96x16x128xbf16> to vector<96x1x128xbf16>
      %squeeze3A_720 = vector.shape_cast %slice3A_719 : vector<96x1x128xbf16> to vector<96x128xbf16>
      %convert_element_type3A_721 = arith.extf %squeeze3A_720 : vector<96x128xbf16> to vector<96x128xf32>
      %add3A_722 = arith.addf %add3A_718, %convert_element_type3A_721 : vector<96x128xf32>
      %slice3A_723 = vector.extract_strided_slice %convert_element_type3A_670 {offsets = [0, 13, 0], sizes = [96, 1, 128], strides = [1, 1, 1]} : vector<96x16x128xbf16> to vector<96x1x128xbf16>
      %squeeze3A_724 = vector.shape_cast %slice3A_723 : vector<96x1x128xbf16> to vector<96x128xbf16>
      %convert_element_type3A_725 = arith.extf %squeeze3A_724 : vector<96x128xbf16> to vector<96x128xf32>
      %add3A_726 = arith.addf %add3A_722, %convert_element_type3A_725 : vector<96x128xf32>
      %slice3A_727 = vector.extract_strided_slice %convert_element_type3A_670 {offsets = [0, 14, 0], sizes = [96, 1, 128], strides = [1, 1, 1]} : vector<96x16x128xbf16> to vector<96x1x128xbf16>
      %squeeze3A_728 = vector.shape_cast %slice3A_727 : vector<96x1x128xbf16> to vector<96x128xbf16>
      %convert_element_type3A_729 = arith.extf %squeeze3A_728 : vector<96x128xbf16> to vector<96x128xf32>
      %add3A_730 = arith.addf %add3A_726, %convert_element_type3A_729 : vector<96x128xf32>
      %slice3A_731 = vector.extract_strided_slice %convert_element_type3A_670 {offsets = [0, 15, 0], sizes = [96, 1, 128], strides = [1, 1, 1]} : vector<96x16x128xbf16> to vector<96x1x128xbf16>
      %squeeze3A_732 = vector.shape_cast %slice3A_731 : vector<96x1x128xbf16> to vector<96x128xbf16>
      %convert_element_type3A_733 = arith.extf %squeeze3A_732 : vector<96x128xbf16> to vector<96x128xf32>
      %add3A_734 = arith.addf %add3A_730, %convert_element_type3A_733 : vector<96x128xf32>
      %get3A_735 = arith.constant 8192 : index
      %get3A_736 = arith.constant 0 : index
      %get3A_737 = vector.load %arg1[%get3A_735, %get3A_736] : memref<16384x128xf32, #tpu.memory_space<vmem>>, vector<2048x128xf32>
      %convert_element_type3A_738 = arith.truncf %get3A_737 : vector<2048x128xf32> to vector<2048x128xbf16>
      %dot_general3A_739 = arith.constant dense<0.000000e+00> : vector<1x128xf32>
      %dot_general3A_740 = tpu.matmul %broadcast_in_dim3A_208, %convert_element_type3A_738, %dot_general3A_739 {dimension_numbers = #tpu.dot_dimension_numbers<[1], [0], [0], [1], [0, 0, 1, 1], [], []>, transpose_lhs_hint = false} : vector<1x2048xbf16>, vector<2048x128xbf16>, vector<1x128xf32> -> vector<1x128xf32>
      %add3A_741 = arith.addf %add3A_611, %dot_general3A_740 : vector<1x128xf32>
      %mul3A_742 = arith.mulf %convert_element_type3A_738, %convert_element_type3A_738 : vector<2048x128xbf16>
      %dot_general3A_743 = arith.constant dense<0.000000e+00> : vector<1x128xf32>
      %dot_general3A_744 = tpu.matmul %broadcast_in_dim3A_208, %mul3A_742, %dot_general3A_743 {dimension_numbers = #tpu.dot_dimension_numbers<[1], [0], [0], [1], [0, 0, 1, 1], [], []>, transpose_lhs_hint = false} : vector<1x2048xbf16>, vector<2048x128xbf16>, vector<1x128xf32> -> vector<1x128xf32>
      %add3A_745 = arith.addf %add3A_615, %dot_general3A_744 : vector<1x128xf32>
      %get3A_746 = arith.constant 64 : index
      %get3A_747 = arith.constant 0 : index
      %get3A_748 = vector.load %arg2[%get3A_746, %get3A_747] : memref<128x128xi32, #tpu.memory_space<vmem>>, vector<16x128xi32>
      %iota3A_749 = tpu.iota {dimensions = array<i32: 0>} : vector<96x1x1xi32>
      %lt3A_750 = arith.constant 32 : i32
      %lt3A_751 = vector.broadcast %lt3A_750 : i32 to vector<96x1x1xi32>
      %lt3A_752 = arith.cmpi slt, %iota3A_749, %lt3A_751 : vector<96x1x1xi32>
      %lt3A_753 = arith.constant 64 : i32
      %lt3A_754 = vector.broadcast %lt3A_753 : i32 to vector<96x1x1xi32>
      %lt3A_755 = arith.cmpi slt, %iota3A_749, %lt3A_754 : vector<96x1x1xi32>
      %jit3A_756 = arith.constant 5 : i32
      %jit3A_757 = arith.constant 10 : i32
      %broadcast_in_dim3A_758 = vector.broadcast %jit3A_756 : i32 to vector<96x1x1xi32>
      %broadcast_in_dim3A_759 = vector.broadcast %jit3A_757 : i32 to vector<96x1x1xi32>
      %select_n3A_760 = arith.select %lt3A_755, %broadcast_in_dim3A_758, %broadcast_in_dim3A_759 : vector<96x1x1xi1>, vector<96x1x1xi32>
      %jit3A_761 = arith.constant 0 : i32
      %broadcast_in_dim3A_762 = vector.broadcast %jit3A_761 : i32 to vector<96x1x1xi32>
      %select_n3A_763 = arith.select %lt3A_752, %broadcast_in_dim3A_762, %select_n3A_760 : vector<96x1x1xi1>, vector<96x1x1xi32>
      %jit3A_764 = arith.constant 32 : i32
      %eq3A_765 = arith.constant 0 : i32
      %eq3A_766 = arith.cmpi eq, %jit3A_764, %eq3A_765 : i32
      %jit3A_767 = arith.constant 1 : i32
      %select_n3A_768 = arith.select %eq3A_766, %jit3A_767, %jit3A_764 : i32
      %rem3A_769 = vector.broadcast %select_n3A_768 : i32 to vector<96x1x1xi32>
      %rem3A_770 = arith.remsi %iota3A_749, %rem3A_769 : vector<96x1x1xi32>
      %ne3A_771 = arith.constant 0 : i32
      %ne3A_772 = vector.broadcast %ne3A_771 : i32 to vector<96x1x1xi32>
      %ne3A_773 = arith.cmpi ne, %rem3A_770, %ne3A_772 : vector<96x1x1xi32>
      %lt3A_774 = arith.constant 0 : i32
      %lt3A_775 = vector.broadcast %lt3A_774 : i32 to vector<96x1x1xi32>
      %lt3A_776 = arith.cmpi slt, %rem3A_770, %lt3A_775 : vector<96x1x1xi32>
      %lt3A_777 = arith.constant 0 : i32
      %lt3A_778 = arith.cmpi slt, %select_n3A_768, %lt3A_777 : i32
      %ne3A_779 = vector.broadcast %lt3A_778 : i1 to vector<96x1x1xi1>
      %ne3A_780 = vector.broadcast %ne3A_779 : vector<96x1x1xi1> to vector<96x1x1xi1>
      %ne3A_781 = arith.xori %lt3A_776, %ne3A_780 : vector<96x1x1xi1>
      %and3A_782 = arith.andi %ne3A_781, %ne3A_773 : vector<96x1x1xi1>
      %add3A_783 = vector.broadcast %select_n3A_768 : i32 to vector<96x1x1xi32>
      %add3A_784 = arith.addi %rem3A_770, %add3A_783 : vector<96x1x1xi32>
      %select_n3A_785 = arith.select %and3A_782, %add3A_784, %rem3A_770 : vector<96x1x1xi1>, vector<96x1x1xi32>
      %broadcast_in_dim3A_786 = vector.shape_cast %get3A_748 : vector<16x128xi32> to vector<1x16x128xi32>
      %shift_right_logical3A_787 = vector.broadcast %broadcast_in_dim3A_786 : vector<1x16x128xi32> to vector<96x16x128xi32>
      %shift_right_logical3A_788 = vector.broadcast %select_n3A_763 : vector<96x1x1xi32> to vector<96x16x128xi32>
      %shift_right_logical3A_789 = arith.shrui %shift_right_logical3A_787, %shift_right_logical3A_788 : vector<96x16x128xi32>
      %and3A_790 = arith.constant 31 : i32
      %and3A_791 = vector.broadcast %and3A_790 : i32 to vector<96x16x128xi32>
      %and3A_792 = arith.andi %shift_right_logical3A_789, %and3A_791 : vector<96x16x128xi32>
      %eq3A_793 = vector.broadcast %select_n3A_785 : vector<96x1x1xi32> to vector<96x16x128xi32>
      %eq3A_794 = arith.cmpi eq, %and3A_792, %eq3A_793 : vector<96x16x128xi32>
      %jit3A_795 = arith.constant 1.000000e+00 : f32
      %jit3A_796 = arith.constant 0.000000e+00 : f32
      %broadcast_in_dim3A_797 = vector.broadcast %jit3A_795 : f32 to vector<96x16x128xf32>
      %broadcast_in_dim3A_798 = vector.broadcast %jit3A_796 : f32 to vector<96x16x128xf32>
      %select_n3A_799 = arith.select %eq3A_794, %broadcast_in_dim3A_797, %broadcast_in_dim3A_798 : vector<96x16x128xi1>, vector<96x16x128xf32>
      %convert_element_type3A_800 = arith.truncf %select_n3A_799 : vector<96x16x128xf32> to vector<96x16x128xbf16>
      %slice3A_801 = vector.extract_strided_slice %convert_element_type3A_800 {offsets = [0, 0, 0], sizes = [96, 1, 128], strides = [1, 1, 1]} : vector<96x16x128xbf16> to vector<96x1x128xbf16>
      %squeeze3A_802 = vector.shape_cast %slice3A_801 : vector<96x1x128xbf16> to vector<96x128xbf16>
      %convert_element_type3A_803 = arith.extf %squeeze3A_802 : vector<96x128xbf16> to vector<96x128xf32>
      %add3A_804 = arith.addf %add3A_734, %convert_element_type3A_803 : vector<96x128xf32>
      %slice3A_805 = vector.extract_strided_slice %convert_element_type3A_800 {offsets = [0, 1, 0], sizes = [96, 1, 128], strides = [1, 1, 1]} : vector<96x16x128xbf16> to vector<96x1x128xbf16>
      %squeeze3A_806 = vector.shape_cast %slice3A_805 : vector<96x1x128xbf16> to vector<96x128xbf16>
      %convert_element_type3A_807 = arith.extf %squeeze3A_806 : vector<96x128xbf16> to vector<96x128xf32>
      %add3A_808 = arith.addf %add3A_804, %convert_element_type3A_807 : vector<96x128xf32>
      %slice3A_809 = vector.extract_strided_slice %convert_element_type3A_800 {offsets = [0, 2, 0], sizes = [96, 1, 128], strides = [1, 1, 1]} : vector<96x16x128xbf16> to vector<96x1x128xbf16>
      %squeeze3A_810 = vector.shape_cast %slice3A_809 : vector<96x1x128xbf16> to vector<96x128xbf16>
      %convert_element_type3A_811 = arith.extf %squeeze3A_810 : vector<96x128xbf16> to vector<96x128xf32>
      %add3A_812 = arith.addf %add3A_808, %convert_element_type3A_811 : vector<96x128xf32>
      %slice3A_813 = vector.extract_strided_slice %convert_element_type3A_800 {offsets = [0, 3, 0], sizes = [96, 1, 128], strides = [1, 1, 1]} : vector<96x16x128xbf16> to vector<96x1x128xbf16>
      %squeeze3A_814 = vector.shape_cast %slice3A_813 : vector<96x1x128xbf16> to vector<96x128xbf16>
      %convert_element_type3A_815 = arith.extf %squeeze3A_814 : vector<96x128xbf16> to vector<96x128xf32>
      %add3A_816 = arith.addf %add3A_812, %convert_element_type3A_815 : vector<96x128xf32>
      %slice3A_817 = vector.extract_strided_slice %convert_element_type3A_800 {offsets = [0, 4, 0], sizes = [96, 1, 128], strides = [1, 1, 1]} : vector<96x16x128xbf16> to vector<96x1x128xbf16>
      %squeeze3A_818 = vector.shape_cast %slice3A_817 : vector<96x1x128xbf16> to vector<96x128xbf16>
      %convert_element_type3A_819 = arith.extf %squeeze3A_818 : vector<96x128xbf16> to vector<96x128xf32>
      %add3A_820 = arith.addf %add3A_816, %convert_element_type3A_819 : vector<96x128xf32>
      %slice3A_821 = vector.extract_strided_slice %convert_element_type3A_800 {offsets = [0, 5, 0], sizes = [96, 1, 128], strides = [1, 1, 1]} : vector<96x16x128xbf16> to vector<96x1x128xbf16>
      %squeeze3A_822 = vector.shape_cast %slice3A_821 : vector<96x1x128xbf16> to vector<96x128xbf16>
      %convert_element_type3A_823 = arith.extf %squeeze3A_822 : vector<96x128xbf16> to vector<96x128xf32>
      %add3A_824 = arith.addf %add3A_820, %convert_element_type3A_823 : vector<96x128xf32>
      %slice3A_825 = vector.extract_strided_slice %convert_element_type3A_800 {offsets = [0, 6, 0], sizes = [96, 1, 128], strides = [1, 1, 1]} : vector<96x16x128xbf16> to vector<96x1x128xbf16>
      %squeeze3A_826 = vector.shape_cast %slice3A_825 : vector<96x1x128xbf16> to vector<96x128xbf16>
      %convert_element_type3A_827 = arith.extf %squeeze3A_826 : vector<96x128xbf16> to vector<96x128xf32>
      %add3A_828 = arith.addf %add3A_824, %convert_element_type3A_827 : vector<96x128xf32>
      %slice3A_829 = vector.extract_strided_slice %convert_element_type3A_800 {offsets = [0, 7, 0], sizes = [96, 1, 128], strides = [1, 1, 1]} : vector<96x16x128xbf16> to vector<96x1x128xbf16>
      %squeeze3A_830 = vector.shape_cast %slice3A_829 : vector<96x1x128xbf16> to vector<96x128xbf16>
      %convert_element_type3A_831 = arith.extf %squeeze3A_830 : vector<96x128xbf16> to vector<96x128xf32>
      %add3A_832 = arith.addf %add3A_828, %convert_element_type3A_831 : vector<96x128xf32>
      %slice3A_833 = vector.extract_strided_slice %convert_element_type3A_800 {offsets = [0, 8, 0], sizes = [96, 1, 128], strides = [1, 1, 1]} : vector<96x16x128xbf16> to vector<96x1x128xbf16>
      %squeeze3A_834 = vector.shape_cast %slice3A_833 : vector<96x1x128xbf16> to vector<96x128xbf16>
      %convert_element_type3A_835 = arith.extf %squeeze3A_834 : vector<96x128xbf16> to vector<96x128xf32>
      %add3A_836 = arith.addf %add3A_832, %convert_element_type3A_835 : vector<96x128xf32>
      %slice3A_837 = vector.extract_strided_slice %convert_element_type3A_800 {offsets = [0, 9, 0], sizes = [96, 1, 128], strides = [1, 1, 1]} : vector<96x16x128xbf16> to vector<96x1x128xbf16>
      %squeeze3A_838 = vector.shape_cast %slice3A_837 : vector<96x1x128xbf16> to vector<96x128xbf16>
      %convert_element_type3A_839 = arith.extf %squeeze3A_838 : vector<96x128xbf16> to vector<96x128xf32>
      %add3A_840 = arith.addf %add3A_836, %convert_element_type3A_839 : vector<96x128xf32>
      %slice3A_841 = vector.extract_strided_slice %convert_element_type3A_800 {offsets = [0, 10, 0], sizes = [96, 1, 128], strides = [1, 1, 1]} : vector<96x16x128xbf16> to vector<96x1x128xbf16>
      %squeeze3A_842 = vector.shape_cast %slice3A_841 : vector<96x1x128xbf16> to vector<96x128xbf16>
      %convert_element_type3A_843 = arith.extf %squeeze3A_842 : vector<96x128xbf16> to vector<96x128xf32>
      %add3A_844 = arith.addf %add3A_840, %convert_element_type3A_843 : vector<96x128xf32>
      %slice3A_845 = vector.extract_strided_slice %convert_element_type3A_800 {offsets = [0, 11, 0], sizes = [96, 1, 128], strides = [1, 1, 1]} : vector<96x16x128xbf16> to vector<96x1x128xbf16>
      %squeeze3A_846 = vector.shape_cast %slice3A_845 : vector<96x1x128xbf16> to vector<96x128xbf16>
      %convert_element_type3A_847 = arith.extf %squeeze3A_846 : vector<96x128xbf16> to vector<96x128xf32>
      %add3A_848 = arith.addf %add3A_844, %convert_element_type3A_847 : vector<96x128xf32>
      %slice3A_849 = vector.extract_strided_slice %convert_element_type3A_800 {offsets = [0, 12, 0], sizes = [96, 1, 128], strides = [1, 1, 1]} : vector<96x16x128xbf16> to vector<96x1x128xbf16>
      %squeeze3A_850 = vector.shape_cast %slice3A_849 : vector<96x1x128xbf16> to vector<96x128xbf16>
      %convert_element_type3A_851 = arith.extf %squeeze3A_850 : vector<96x128xbf16> to vector<96x128xf32>
      %add3A_852 = arith.addf %add3A_848, %convert_element_type3A_851 : vector<96x128xf32>
      %slice3A_853 = vector.extract_strided_slice %convert_element_type3A_800 {offsets = [0, 13, 0], sizes = [96, 1, 128], strides = [1, 1, 1]} : vector<96x16x128xbf16> to vector<96x1x128xbf16>
      %squeeze3A_854 = vector.shape_cast %slice3A_853 : vector<96x1x128xbf16> to vector<96x128xbf16>
      %convert_element_type3A_855 = arith.extf %squeeze3A_854 : vector<96x128xbf16> to vector<96x128xf32>
      %add3A_856 = arith.addf %add3A_852, %convert_element_type3A_855 : vector<96x128xf32>
      %slice3A_857 = vector.extract_strided_slice %convert_element_type3A_800 {offsets = [0, 14, 0], sizes = [96, 1, 128], strides = [1, 1, 1]} : vector<96x16x128xbf16> to vector<96x1x128xbf16>
      %squeeze3A_858 = vector.shape_cast %slice3A_857 : vector<96x1x128xbf16> to vector<96x128xbf16>
      %convert_element_type3A_859 = arith.extf %squeeze3A_858 : vector<96x128xbf16> to vector<96x128xf32>
      %add3A_860 = arith.addf %add3A_856, %convert_element_type3A_859 : vector<96x128xf32>
      %slice3A_861 = vector.extract_strided_slice %convert_element_type3A_800 {offsets = [0, 15, 0], sizes = [96, 1, 128], strides = [1, 1, 1]} : vector<96x16x128xbf16> to vector<96x1x128xbf16>
      %squeeze3A_862 = vector.shape_cast %slice3A_861 : vector<96x1x128xbf16> to vector<96x128xbf16>
      %convert_element_type3A_863 = arith.extf %squeeze3A_862 : vector<96x128xbf16> to vector<96x128xf32>
      %add3A_864 = arith.addf %add3A_860, %convert_element_type3A_863 : vector<96x128xf32>
      %get3A_865 = arith.constant 10240 : index
      %get3A_866 = arith.constant 0 : index
      %get3A_867 = vector.load %arg1[%get3A_865, %get3A_866] : memref<16384x128xf32, #tpu.memory_space<vmem>>, vector<2048x128xf32>
      %convert_element_type3A_868 = arith.truncf %get3A_867 : vector<2048x128xf32> to vector<2048x128xbf16>
      %dot_general3A_869 = arith.constant dense<0.000000e+00> : vector<1x128xf32>
      %dot_general3A_870 = tpu.matmul %broadcast_in_dim3A_208, %convert_element_type3A_868, %dot_general3A_869 {dimension_numbers = #tpu.dot_dimension_numbers<[1], [0], [0], [1], [0, 0, 1, 1], [], []>, transpose_lhs_hint = false} : vector<1x2048xbf16>, vector<2048x128xbf16>, vector<1x128xf32> -> vector<1x128xf32>
      %add3A_871 = arith.addf %add3A_741, %dot_general3A_870 : vector<1x128xf32>
      %mul3A_872 = arith.mulf %convert_element_type3A_868, %convert_element_type3A_868 : vector<2048x128xbf16>
      %dot_general3A_873 = arith.constant dense<0.000000e+00> : vector<1x128xf32>
      %dot_general3A_874 = tpu.matmul %broadcast_in_dim3A_208, %mul3A_872, %dot_general3A_873 {dimension_numbers = #tpu.dot_dimension_numbers<[1], [0], [0], [1], [0, 0, 1, 1], [], []>, transpose_lhs_hint = false} : vector<1x2048xbf16>, vector<2048x128xbf16>, vector<1x128xf32> -> vector<1x128xf32>
      %add3A_875 = arith.addf %add3A_745, %dot_general3A_874 : vector<1x128xf32>
      %get3A_876 = arith.constant 80 : index
      %get3A_877 = arith.constant 0 : index
      %get3A_878 = vector.load %arg2[%get3A_876, %get3A_877] : memref<128x128xi32, #tpu.memory_space<vmem>>, vector<16x128xi32>
      %iota3A_879 = tpu.iota {dimensions = array<i32: 0>} : vector<96x1x1xi32>
      %lt3A_880 = arith.constant 32 : i32
      %lt3A_881 = vector.broadcast %lt3A_880 : i32 to vector<96x1x1xi32>
      %lt3A_882 = arith.cmpi slt, %iota3A_879, %lt3A_881 : vector<96x1x1xi32>
      %lt3A_883 = arith.constant 64 : i32
      %lt3A_884 = vector.broadcast %lt3A_883 : i32 to vector<96x1x1xi32>
      %lt3A_885 = arith.cmpi slt, %iota3A_879, %lt3A_884 : vector<96x1x1xi32>
      %jit3A_886 = arith.constant 5 : i32
      %jit3A_887 = arith.constant 10 : i32
      %broadcast_in_dim3A_888 = vector.broadcast %jit3A_886 : i32 to vector<96x1x1xi32>
      %broadcast_in_dim3A_889 = vector.broadcast %jit3A_887 : i32 to vector<96x1x1xi32>
      %select_n3A_890 = arith.select %lt3A_885, %broadcast_in_dim3A_888, %broadcast_in_dim3A_889 : vector<96x1x1xi1>, vector<96x1x1xi32>
      %jit3A_891 = arith.constant 0 : i32
      %broadcast_in_dim3A_892 = vector.broadcast %jit3A_891 : i32 to vector<96x1x1xi32>
      %select_n3A_893 = arith.select %lt3A_882, %broadcast_in_dim3A_892, %select_n3A_890 : vector<96x1x1xi1>, vector<96x1x1xi32>
      %jit3A_894 = arith.constant 32 : i32
      %eq3A_895 = arith.constant 0 : i32
      %eq3A_896 = arith.cmpi eq, %jit3A_894, %eq3A_895 : i32
      %jit3A_897 = arith.constant 1 : i32
      %select_n3A_898 = arith.select %eq3A_896, %jit3A_897, %jit3A_894 : i32
      %rem3A_899 = vector.broadcast %select_n3A_898 : i32 to vector<96x1x1xi32>
      %rem3A_900 = arith.remsi %iota3A_879, %rem3A_899 : vector<96x1x1xi32>
      %ne3A_901 = arith.constant 0 : i32
      %ne3A_902 = vector.broadcast %ne3A_901 : i32 to vector<96x1x1xi32>
      %ne3A_903 = arith.cmpi ne, %rem3A_900, %ne3A_902 : vector<96x1x1xi32>
      %lt3A_904 = arith.constant 0 : i32
      %lt3A_905 = vector.broadcast %lt3A_904 : i32 to vector<96x1x1xi32>
      %lt3A_906 = arith.cmpi slt, %rem3A_900, %lt3A_905 : vector<96x1x1xi32>
      %lt3A_907 = arith.constant 0 : i32
      %lt3A_908 = arith.cmpi slt, %select_n3A_898, %lt3A_907 : i32
      %ne3A_909 = vector.broadcast %lt3A_908 : i1 to vector<96x1x1xi1>
      %ne3A_910 = vector.broadcast %ne3A_909 : vector<96x1x1xi1> to vector<96x1x1xi1>
      %ne3A_911 = arith.xori %lt3A_906, %ne3A_910 : vector<96x1x1xi1>
      %and3A_912 = arith.andi %ne3A_911, %ne3A_903 : vector<96x1x1xi1>
      %add3A_913 = vector.broadcast %select_n3A_898 : i32 to vector<96x1x1xi32>
      %add3A_914 = arith.addi %rem3A_900, %add3A_913 : vector<96x1x1xi32>
      %select_n3A_915 = arith.select %and3A_912, %add3A_914, %rem3A_900 : vector<96x1x1xi1>, vector<96x1x1xi32>
      %broadcast_in_dim3A_916 = vector.shape_cast %get3A_878 : vector<16x128xi32> to vector<1x16x128xi32>
      %shift_right_logical3A_917 = vector.broadcast %broadcast_in_dim3A_916 : vector<1x16x128xi32> to vector<96x16x128xi32>
      %shift_right_logical3A_918 = vector.broadcast %select_n3A_893 : vector<96x1x1xi32> to vector<96x16x128xi32>
      %shift_right_logical3A_919 = arith.shrui %shift_right_logical3A_917, %shift_right_logical3A_918 : vector<96x16x128xi32>
      %and3A_920 = arith.constant 31 : i32
      %and3A_921 = vector.broadcast %and3A_920 : i32 to vector<96x16x128xi32>
      %and3A_922 = arith.andi %shift_right_logical3A_919, %and3A_921 : vector<96x16x128xi32>
      %eq3A_923 = vector.broadcast %select_n3A_915 : vector<96x1x1xi32> to vector<96x16x128xi32>
      %eq3A_924 = arith.cmpi eq, %and3A_922, %eq3A_923 : vector<96x16x128xi32>
      %jit3A_925 = arith.constant 1.000000e+00 : f32
      %jit3A_926 = arith.constant 0.000000e+00 : f32
      %broadcast_in_dim3A_927 = vector.broadcast %jit3A_925 : f32 to vector<96x16x128xf32>
      %broadcast_in_dim3A_928 = vector.broadcast %jit3A_926 : f32 to vector<96x16x128xf32>
      %select_n3A_929 = arith.select %eq3A_924, %broadcast_in_dim3A_927, %broadcast_in_dim3A_928 : vector<96x16x128xi1>, vector<96x16x128xf32>
      %convert_element_type3A_930 = arith.truncf %select_n3A_929 : vector<96x16x128xf32> to vector<96x16x128xbf16>
      %slice3A_931 = vector.extract_strided_slice %convert_element_type3A_930 {offsets = [0, 0, 0], sizes = [96, 1, 128], strides = [1, 1, 1]} : vector<96x16x128xbf16> to vector<96x1x128xbf16>
      %squeeze3A_932 = vector.shape_cast %slice3A_931 : vector<96x1x128xbf16> to vector<96x128xbf16>
      %convert_element_type3A_933 = arith.extf %squeeze3A_932 : vector<96x128xbf16> to vector<96x128xf32>
      %add3A_934 = arith.addf %add3A_864, %convert_element_type3A_933 : vector<96x128xf32>
      %slice3A_935 = vector.extract_strided_slice %convert_element_type3A_930 {offsets = [0, 1, 0], sizes = [96, 1, 128], strides = [1, 1, 1]} : vector<96x16x128xbf16> to vector<96x1x128xbf16>
      %squeeze3A_936 = vector.shape_cast %slice3A_935 : vector<96x1x128xbf16> to vector<96x128xbf16>
      %convert_element_type3A_937 = arith.extf %squeeze3A_936 : vector<96x128xbf16> to vector<96x128xf32>
      %add3A_938 = arith.addf %add3A_934, %convert_element_type3A_937 : vector<96x128xf32>
      %slice3A_939 = vector.extract_strided_slice %convert_element_type3A_930 {offsets = [0, 2, 0], sizes = [96, 1, 128], strides = [1, 1, 1]} : vector<96x16x128xbf16> to vector<96x1x128xbf16>
      %squeeze3A_940 = vector.shape_cast %slice3A_939 : vector<96x1x128xbf16> to vector<96x128xbf16>
      %convert_element_type3A_941 = arith.extf %squeeze3A_940 : vector<96x128xbf16> to vector<96x128xf32>
      %add3A_942 = arith.addf %add3A_938, %convert_element_type3A_941 : vector<96x128xf32>
      %slice3A_943 = vector.extract_strided_slice %convert_element_type3A_930 {offsets = [0, 3, 0], sizes = [96, 1, 128], strides = [1, 1, 1]} : vector<96x16x128xbf16> to vector<96x1x128xbf16>
      %squeeze3A_944 = vector.shape_cast %slice3A_943 : vector<96x1x128xbf16> to vector<96x128xbf16>
      %convert_element_type3A_945 = arith.extf %squeeze3A_944 : vector<96x128xbf16> to vector<96x128xf32>
      %add3A_946 = arith.addf %add3A_942, %convert_element_type3A_945 : vector<96x128xf32>
      %slice3A_947 = vector.extract_strided_slice %convert_element_type3A_930 {offsets = [0, 4, 0], sizes = [96, 1, 128], strides = [1, 1, 1]} : vector<96x16x128xbf16> to vector<96x1x128xbf16>
      %squeeze3A_948 = vector.shape_cast %slice3A_947 : vector<96x1x128xbf16> to vector<96x128xbf16>
      %convert_element_type3A_949 = arith.extf %squeeze3A_948 : vector<96x128xbf16> to vector<96x128xf32>
      %add3A_950 = arith.addf %add3A_946, %convert_element_type3A_949 : vector<96x128xf32>
      %slice3A_951 = vector.extract_strided_slice %convert_element_type3A_930 {offsets = [0, 5, 0], sizes = [96, 1, 128], strides = [1, 1, 1]} : vector<96x16x128xbf16> to vector<96x1x128xbf16>
      %squeeze3A_952 = vector.shape_cast %slice3A_951 : vector<96x1x128xbf16> to vector<96x128xbf16>
      %convert_element_type3A_953 = arith.extf %squeeze3A_952 : vector<96x128xbf16> to vector<96x128xf32>
      %add3A_954 = arith.addf %add3A_950, %convert_element_type3A_953 : vector<96x128xf32>
      %slice3A_955 = vector.extract_strided_slice %convert_element_type3A_930 {offsets = [0, 6, 0], sizes = [96, 1, 128], strides = [1, 1, 1]} : vector<96x16x128xbf16> to vector<96x1x128xbf16>
      %squeeze3A_956 = vector.shape_cast %slice3A_955 : vector<96x1x128xbf16> to vector<96x128xbf16>
      %convert_element_type3A_957 = arith.extf %squeeze3A_956 : vector<96x128xbf16> to vector<96x128xf32>
      %add3A_958 = arith.addf %add3A_954, %convert_element_type3A_957 : vector<96x128xf32>
      %slice3A_959 = vector.extract_strided_slice %convert_element_type3A_930 {offsets = [0, 7, 0], sizes = [96, 1, 128], strides = [1, 1, 1]} : vector<96x16x128xbf16> to vector<96x1x128xbf16>
      %squeeze3A_960 = vector.shape_cast %slice3A_959 : vector<96x1x128xbf16> to vector<96x128xbf16>
      %convert_element_type3A_961 = arith.extf %squeeze3A_960 : vector<96x128xbf16> to vector<96x128xf32>
      %add3A_962 = arith.addf %add3A_958, %convert_element_type3A_961 : vector<96x128xf32>
      %slice3A_963 = vector.extract_strided_slice %convert_element_type3A_930 {offsets = [0, 8, 0], sizes = [96, 1, 128], strides = [1, 1, 1]} : vector<96x16x128xbf16> to vector<96x1x128xbf16>
      %squeeze3A_964 = vector.shape_cast %slice3A_963 : vector<96x1x128xbf16> to vector<96x128xbf16>
      %convert_element_type3A_965 = arith.extf %squeeze3A_964 : vector<96x128xbf16> to vector<96x128xf32>
      %add3A_966 = arith.addf %add3A_962, %convert_element_type3A_965 : vector<96x128xf32>
      %slice3A_967 = vector.extract_strided_slice %convert_element_type3A_930 {offsets = [0, 9, 0], sizes = [96, 1, 128], strides = [1, 1, 1]} : vector<96x16x128xbf16> to vector<96x1x128xbf16>
      %squeeze3A_968 = vector.shape_cast %slice3A_967 : vector<96x1x128xbf16> to vector<96x128xbf16>
      %convert_element_type3A_969 = arith.extf %squeeze3A_968 : vector<96x128xbf16> to vector<96x128xf32>
      %add3A_970 = arith.addf %add3A_966, %convert_element_type3A_969 : vector<96x128xf32>
      %slice3A_971 = vector.extract_strided_slice %convert_element_type3A_930 {offsets = [0, 10, 0], sizes = [96, 1, 128], strides = [1, 1, 1]} : vector<96x16x128xbf16> to vector<96x1x128xbf16>
      %squeeze3A_972 = vector.shape_cast %slice3A_971 : vector<96x1x128xbf16> to vector<96x128xbf16>
      %convert_element_type3A_973 = arith.extf %squeeze3A_972 : vector<96x128xbf16> to vector<96x128xf32>
      %add3A_974 = arith.addf %add3A_970, %convert_element_type3A_973 : vector<96x128xf32>
      %slice3A_975 = vector.extract_strided_slice %convert_element_type3A_930 {offsets = [0, 11, 0], sizes = [96, 1, 128], strides = [1, 1, 1]} : vector<96x16x128xbf16> to vector<96x1x128xbf16>
      %squeeze3A_976 = vector.shape_cast %slice3A_975 : vector<96x1x128xbf16> to vector<96x128xbf16>
      %convert_element_type3A_977 = arith.extf %squeeze3A_976 : vector<96x128xbf16> to vector<96x128xf32>
      %add3A_978 = arith.addf %add3A_974, %convert_element_type3A_977 : vector<96x128xf32>
      %slice3A_979 = vector.extract_strided_slice %convert_element_type3A_930 {offsets = [0, 12, 0], sizes = [96, 1, 128], strides = [1, 1, 1]} : vector<96x16x128xbf16> to vector<96x1x128xbf16>
      %squeeze3A_980 = vector.shape_cast %slice3A_979 : vector<96x1x128xbf16> to vector<96x128xbf16>
      %convert_element_type3A_981 = arith.extf %squeeze3A_980 : vector<96x128xbf16> to vector<96x128xf32>
      %add3A_982 = arith.addf %add3A_978, %convert_element_type3A_981 : vector<96x128xf32>
      %slice3A_983 = vector.extract_strided_slice %convert_element_type3A_930 {offsets = [0, 13, 0], sizes = [96, 1, 128], strides = [1, 1, 1]} : vector<96x16x128xbf16> to vector<96x1x128xbf16>
      %squeeze3A_984 = vector.shape_cast %slice3A_983 : vector<96x1x128xbf16> to vector<96x128xbf16>
      %convert_element_type3A_985 = arith.extf %squeeze3A_984 : vector<96x128xbf16> to vector<96x128xf32>
      %add3A_986 = arith.addf %add3A_982, %convert_element_type3A_985 : vector<96x128xf32>
      %slice3A_987 = vector.extract_strided_slice %convert_element_type3A_930 {offsets = [0, 14, 0], sizes = [96, 1, 128], strides = [1, 1, 1]} : vector<96x16x128xbf16> to vector<96x1x128xbf16>
      %squeeze3A_988 = vector.shape_cast %slice3A_987 : vector<96x1x128xbf16> to vector<96x128xbf16>
      %convert_element_type3A_989 = arith.extf %squeeze3A_988 : vector<96x128xbf16> to vector<96x128xf32>
      %add3A_990 = arith.addf %add3A_986, %convert_element_type3A_989 : vector<96x128xf32>
      %slice3A_991 = vector.extract_strided_slice %convert_element_type3A_930 {offsets = [0, 15, 0], sizes = [96, 1, 128], strides = [1, 1, 1]} : vector<96x16x128xbf16> to vector<96x1x128xbf16>
      %squeeze3A_992 = vector.shape_cast %slice3A_991 : vector<96x1x128xbf16> to vector<96x128xbf16>
      %convert_element_type3A_993 = arith.extf %squeeze3A_992 : vector<96x128xbf16> to vector<96x128xf32>
      %add3A_994 = arith.addf %add3A_990, %convert_element_type3A_993 : vector<96x128xf32>
      %get3A_995 = arith.constant 12288 : index
      %get3A_996 = arith.constant 0 : index
      %get3A_997 = vector.load %arg1[%get3A_995, %get3A_996] : memref<16384x128xf32, #tpu.memory_space<vmem>>, vector<2048x128xf32>
      %convert_element_type3A_998 = arith.truncf %get3A_997 : vector<2048x128xf32> to vector<2048x128xbf16>
      %dot_general3A_999 = arith.constant dense<0.000000e+00> : vector<1x128xf32>
      %dot_general3A_1000 = tpu.matmul %broadcast_in_dim3A_208, %convert_element_type3A_998, %dot_general3A_999 {dimension_numbers = #tpu.dot_dimension_numbers<[1], [0], [0], [1], [0, 0, 1, 1], [], []>, transpose_lhs_hint = false} : vector<1x2048xbf16>, vector<2048x128xbf16>, vector<1x128xf32> -> vector<1x128xf32>
      %add3A_1001 = arith.addf %add3A_871, %dot_general3A_1000 : vector<1x128xf32>
      %mul3A_1002 = arith.mulf %convert_element_type3A_998, %convert_element_type3A_998 : vector<2048x128xbf16>
      %dot_general3A_1003 = arith.constant dense<0.000000e+00> : vector<1x128xf32>
      %dot_general3A_1004 = tpu.matmul %broadcast_in_dim3A_208, %mul3A_1002, %dot_general3A_1003 {dimension_numbers = #tpu.dot_dimension_numbers<[1], [0], [0], [1], [0, 0, 1, 1], [], []>, transpose_lhs_hint = false} : vector<1x2048xbf16>, vector<2048x128xbf16>, vector<1x128xf32> -> vector<1x128xf32>
      %add3A_1005 = arith.addf %add3A_875, %dot_general3A_1004 : vector<1x128xf32>
      %get3A_1006 = arith.constant 96 : index
      %get3A_1007 = arith.constant 0 : index
      %get3A_1008 = vector.load %arg2[%get3A_1006, %get3A_1007] : memref<128x128xi32, #tpu.memory_space<vmem>>, vector<16x128xi32>
      %iota3A_1009 = tpu.iota {dimensions = array<i32: 0>} : vector<96x1x1xi32>
      %lt3A_1010 = arith.constant 32 : i32
      %lt3A_1011 = vector.broadcast %lt3A_1010 : i32 to vector<96x1x1xi32>
      %lt3A_1012 = arith.cmpi slt, %iota3A_1009, %lt3A_1011 : vector<96x1x1xi32>
      %lt3A_1013 = arith.constant 64 : i32
      %lt3A_1014 = vector.broadcast %lt3A_1013 : i32 to vector<96x1x1xi32>
      %lt3A_1015 = arith.cmpi slt, %iota3A_1009, %lt3A_1014 : vector<96x1x1xi32>
      %jit3A_1016 = arith.constant 5 : i32
      %jit3A_1017 = arith.constant 10 : i32
      %broadcast_in_dim3A_1018 = vector.broadcast %jit3A_1016 : i32 to vector<96x1x1xi32>
      %broadcast_in_dim3A_1019 = vector.broadcast %jit3A_1017 : i32 to vector<96x1x1xi32>
      %select_n3A_1020 = arith.select %lt3A_1015, %broadcast_in_dim3A_1018, %broadcast_in_dim3A_1019 : vector<96x1x1xi1>, vector<96x1x1xi32>
      %jit3A_1021 = arith.constant 0 : i32
      %broadcast_in_dim3A_1022 = vector.broadcast %jit3A_1021 : i32 to vector<96x1x1xi32>
      %select_n3A_1023 = arith.select %lt3A_1012, %broadcast_in_dim3A_1022, %select_n3A_1020 : vector<96x1x1xi1>, vector<96x1x1xi32>
      %jit3A_1024 = arith.constant 32 : i32
      %eq3A_1025 = arith.constant 0 : i32
      %eq3A_1026 = arith.cmpi eq, %jit3A_1024, %eq3A_1025 : i32
      %jit3A_1027 = arith.constant 1 : i32
      %select_n3A_1028 = arith.select %eq3A_1026, %jit3A_1027, %jit3A_1024 : i32
      %rem3A_1029 = vector.broadcast %select_n3A_1028 : i32 to vector<96x1x1xi32>
      %rem3A_1030 = arith.remsi %iota3A_1009, %rem3A_1029 : vector<96x1x1xi32>
      %ne3A_1031 = arith.constant 0 : i32
      %ne3A_1032 = vector.broadcast %ne3A_1031 : i32 to vector<96x1x1xi32>
      %ne3A_1033 = arith.cmpi ne, %rem3A_1030, %ne3A_1032 : vector<96x1x1xi32>
      %lt3A_1034 = arith.constant 0 : i32
      %lt3A_1035 = vector.broadcast %lt3A_1034 : i32 to vector<96x1x1xi32>
      %lt3A_1036 = arith.cmpi slt, %rem3A_1030, %lt3A_1035 : vector<96x1x1xi32>
      %lt3A_1037 = arith.constant 0 : i32
      %lt3A_1038 = arith.cmpi slt, %select_n3A_1028, %lt3A_1037 : i32
      %ne3A_1039 = vector.broadcast %lt3A_1038 : i1 to vector<96x1x1xi1>
      %ne3A_1040 = vector.broadcast %ne3A_1039 : vector<96x1x1xi1> to vector<96x1x1xi1>
      %ne3A_1041 = arith.xori %lt3A_1036, %ne3A_1040 : vector<96x1x1xi1>
      %and3A_1042 = arith.andi %ne3A_1041, %ne3A_1033 : vector<96x1x1xi1>
      %add3A_1043 = vector.broadcast %select_n3A_1028 : i32 to vector<96x1x1xi32>
      %add3A_1044 = arith.addi %rem3A_1030, %add3A_1043 : vector<96x1x1xi32>
      %select_n3A_1045 = arith.select %and3A_1042, %add3A_1044, %rem3A_1030 : vector<96x1x1xi1>, vector<96x1x1xi32>
      %broadcast_in_dim3A_1046 = vector.shape_cast %get3A_1008 : vector<16x128xi32> to vector<1x16x128xi32>
      %shift_right_logical3A_1047 = vector.broadcast %broadcast_in_dim3A_1046 : vector<1x16x128xi32> to vector<96x16x128xi32>
      %shift_right_logical3A_1048 = vector.broadcast %select_n3A_1023 : vector<96x1x1xi32> to vector<96x16x128xi32>
      %shift_right_logical3A_1049 = arith.shrui %shift_right_logical3A_1047, %shift_right_logical3A_1048 : vector<96x16x128xi32>
      %and3A_1050 = arith.constant 31 : i32
      %and3A_1051 = vector.broadcast %and3A_1050 : i32 to vector<96x16x128xi32>
      %and3A_1052 = arith.andi %shift_right_logical3A_1049, %and3A_1051 : vector<96x16x128xi32>
      %eq3A_1053 = vector.broadcast %select_n3A_1045 : vector<96x1x1xi32> to vector<96x16x128xi32>
      %eq3A_1054 = arith.cmpi eq, %and3A_1052, %eq3A_1053 : vector<96x16x128xi32>
      %jit3A_1055 = arith.constant 1.000000e+00 : f32
      %jit3A_1056 = arith.constant 0.000000e+00 : f32
      %broadcast_in_dim3A_1057 = vector.broadcast %jit3A_1055 : f32 to vector<96x16x128xf32>
      %broadcast_in_dim3A_1058 = vector.broadcast %jit3A_1056 : f32 to vector<96x16x128xf32>
      %select_n3A_1059 = arith.select %eq3A_1054, %broadcast_in_dim3A_1057, %broadcast_in_dim3A_1058 : vector<96x16x128xi1>, vector<96x16x128xf32>
      %convert_element_type3A_1060 = arith.truncf %select_n3A_1059 : vector<96x16x128xf32> to vector<96x16x128xbf16>
      %slice3A_1061 = vector.extract_strided_slice %convert_element_type3A_1060 {offsets = [0, 0, 0], sizes = [96, 1, 128], strides = [1, 1, 1]} : vector<96x16x128xbf16> to vector<96x1x128xbf16>
      %squeeze3A_1062 = vector.shape_cast %slice3A_1061 : vector<96x1x128xbf16> to vector<96x128xbf16>
      %convert_element_type3A_1063 = arith.extf %squeeze3A_1062 : vector<96x128xbf16> to vector<96x128xf32>
      %add3A_1064 = arith.addf %add3A_994, %convert_element_type3A_1063 : vector<96x128xf32>
      %slice3A_1065 = vector.extract_strided_slice %convert_element_type3A_1060 {offsets = [0, 1, 0], sizes = [96, 1, 128], strides = [1, 1, 1]} : vector<96x16x128xbf16> to vector<96x1x128xbf16>
      %squeeze3A_1066 = vector.shape_cast %slice3A_1065 : vector<96x1x128xbf16> to vector<96x128xbf16>
      %convert_element_type3A_1067 = arith.extf %squeeze3A_1066 : vector<96x128xbf16> to vector<96x128xf32>
      %add3A_1068 = arith.addf %add3A_1064, %convert_element_type3A_1067 : vector<96x128xf32>
      %slice3A_1069 = vector.extract_strided_slice %convert_element_type3A_1060 {offsets = [0, 2, 0], sizes = [96, 1, 128], strides = [1, 1, 1]} : vector<96x16x128xbf16> to vector<96x1x128xbf16>
      %squeeze3A_1070 = vector.shape_cast %slice3A_1069 : vector<96x1x128xbf16> to vector<96x128xbf16>
      %convert_element_type3A_1071 = arith.extf %squeeze3A_1070 : vector<96x128xbf16> to vector<96x128xf32>
      %add3A_1072 = arith.addf %add3A_1068, %convert_element_type3A_1071 : vector<96x128xf32>
      %slice3A_1073 = vector.extract_strided_slice %convert_element_type3A_1060 {offsets = [0, 3, 0], sizes = [96, 1, 128], strides = [1, 1, 1]} : vector<96x16x128xbf16> to vector<96x1x128xbf16>
      %squeeze3A_1074 = vector.shape_cast %slice3A_1073 : vector<96x1x128xbf16> to vector<96x128xbf16>
      %convert_element_type3A_1075 = arith.extf %squeeze3A_1074 : vector<96x128xbf16> to vector<96x128xf32>
      %add3A_1076 = arith.addf %add3A_1072, %convert_element_type3A_1075 : vector<96x128xf32>
      %slice3A_1077 = vector.extract_strided_slice %convert_element_type3A_1060 {offsets = [0, 4, 0], sizes = [96, 1, 128], strides = [1, 1, 1]} : vector<96x16x128xbf16> to vector<96x1x128xbf16>
      %squeeze3A_1078 = vector.shape_cast %slice3A_1077 : vector<96x1x128xbf16> to vector<96x128xbf16>
      %convert_element_type3A_1079 = arith.extf %squeeze3A_1078 : vector<96x128xbf16> to vector<96x128xf32>
      %add3A_1080 = arith.addf %add3A_1076, %convert_element_type3A_1079 : vector<96x128xf32>
      %slice3A_1081 = vector.extract_strided_slice %convert_element_type3A_1060 {offsets = [0, 5, 0], sizes = [96, 1, 128], strides = [1, 1, 1]} : vector<96x16x128xbf16> to vector<96x1x128xbf16>
      %squeeze3A_1082 = vector.shape_cast %slice3A_1081 : vector<96x1x128xbf16> to vector<96x128xbf16>
      %convert_element_type3A_1083 = arith.extf %squeeze3A_1082 : vector<96x128xbf16> to vector<96x128xf32>
      %add3A_1084 = arith.addf %add3A_1080, %convert_element_type3A_1083 : vector<96x128xf32>
      %slice3A_1085 = vector.extract_strided_slice %convert_element_type3A_1060 {offsets = [0, 6, 0], sizes = [96, 1, 128], strides = [1, 1, 1]} : vector<96x16x128xbf16> to vector<96x1x128xbf16>
      %squeeze3A_1086 = vector.shape_cast %slice3A_1085 : vector<96x1x128xbf16> to vector<96x128xbf16>
      %convert_element_type3A_1087 = arith.extf %squeeze3A_1086 : vector<96x128xbf16> to vector<96x128xf32>
      %add3A_1088 = arith.addf %add3A_1084, %convert_element_type3A_1087 : vector<96x128xf32>
      %slice3A_1089 = vector.extract_strided_slice %convert_element_type3A_1060 {offsets = [0, 7, 0], sizes = [96, 1, 128], strides = [1, 1, 1]} : vector<96x16x128xbf16> to vector<96x1x128xbf16>
      %squeeze3A_1090 = vector.shape_cast %slice3A_1089 : vector<96x1x128xbf16> to vector<96x128xbf16>
      %convert_element_type3A_1091 = arith.extf %squeeze3A_1090 : vector<96x128xbf16> to vector<96x128xf32>
      %add3A_1092 = arith.addf %add3A_1088, %convert_element_type3A_1091 : vector<96x128xf32>
      %slice3A_1093 = vector.extract_strided_slice %convert_element_type3A_1060 {offsets = [0, 8, 0], sizes = [96, 1, 128], strides = [1, 1, 1]} : vector<96x16x128xbf16> to vector<96x1x128xbf16>
      %squeeze3A_1094 = vector.shape_cast %slice3A_1093 : vector<96x1x128xbf16> to vector<96x128xbf16>
      %convert_element_type3A_1095 = arith.extf %squeeze3A_1094 : vector<96x128xbf16> to vector<96x128xf32>
      %add3A_1096 = arith.addf %add3A_1092, %convert_element_type3A_1095 : vector<96x128xf32>
      %slice3A_1097 = vector.extract_strided_slice %convert_element_type3A_1060 {offsets = [0, 9, 0], sizes = [96, 1, 128], strides = [1, 1, 1]} : vector<96x16x128xbf16> to vector<96x1x128xbf16>
      %squeeze3A_1098 = vector.shape_cast %slice3A_1097 : vector<96x1x128xbf16> to vector<96x128xbf16>
      %convert_element_type3A_1099 = arith.extf %squeeze3A_1098 : vector<96x128xbf16> to vector<96x128xf32>
      %add3A_1100 = arith.addf %add3A_1096, %convert_element_type3A_1099 : vector<96x128xf32>
      %slice3A_1101 = vector.extract_strided_slice %convert_element_type3A_1060 {offsets = [0, 10, 0], sizes = [96, 1, 128], strides = [1, 1, 1]} : vector<96x16x128xbf16> to vector<96x1x128xbf16>
      %squeeze3A_1102 = vector.shape_cast %slice3A_1101 : vector<96x1x128xbf16> to vector<96x128xbf16>
      %convert_element_type3A_1103 = arith.extf %squeeze3A_1102 : vector<96x128xbf16> to vector<96x128xf32>
      %add3A_1104 = arith.addf %add3A_1100, %convert_element_type3A_1103 : vector<96x128xf32>
      %slice3A_1105 = vector.extract_strided_slice %convert_element_type3A_1060 {offsets = [0, 11, 0], sizes = [96, 1, 128], strides = [1, 1, 1]} : vector<96x16x128xbf16> to vector<96x1x128xbf16>
      %squeeze3A_1106 = vector.shape_cast %slice3A_1105 : vector<96x1x128xbf16> to vector<96x128xbf16>
      %convert_element_type3A_1107 = arith.extf %squeeze3A_1106 : vector<96x128xbf16> to vector<96x128xf32>
      %add3A_1108 = arith.addf %add3A_1104, %convert_element_type3A_1107 : vector<96x128xf32>
      %slice3A_1109 = vector.extract_strided_slice %convert_element_type3A_1060 {offsets = [0, 12, 0], sizes = [96, 1, 128], strides = [1, 1, 1]} : vector<96x16x128xbf16> to vector<96x1x128xbf16>
      %squeeze3A_1110 = vector.shape_cast %slice3A_1109 : vector<96x1x128xbf16> to vector<96x128xbf16>
      %convert_element_type3A_1111 = arith.extf %squeeze3A_1110 : vector<96x128xbf16> to vector<96x128xf32>
      %add3A_1112 = arith.addf %add3A_1108, %convert_element_type3A_1111 : vector<96x128xf32>
      %slice3A_1113 = vector.extract_strided_slice %convert_element_type3A_1060 {offsets = [0, 13, 0], sizes = [96, 1, 128], strides = [1, 1, 1]} : vector<96x16x128xbf16> to vector<96x1x128xbf16>
      %squeeze3A_1114 = vector.shape_cast %slice3A_1113 : vector<96x1x128xbf16> to vector<96x128xbf16>
      %convert_element_type3A_1115 = arith.extf %squeeze3A_1114 : vector<96x128xbf16> to vector<96x128xf32>
      %add3A_1116 = arith.addf %add3A_1112, %convert_element_type3A_1115 : vector<96x128xf32>
      %slice3A_1117 = vector.extract_strided_slice %convert_element_type3A_1060 {offsets = [0, 14, 0], sizes = [96, 1, 128], strides = [1, 1, 1]} : vector<96x16x128xbf16> to vector<96x1x128xbf16>
      %squeeze3A_1118 = vector.shape_cast %slice3A_1117 : vector<96x1x128xbf16> to vector<96x128xbf16>
      %convert_element_type3A_1119 = arith.extf %squeeze3A_1118 : vector<96x128xbf16> to vector<96x128xf32>
      %add3A_1120 = arith.addf %add3A_1116, %convert_element_type3A_1119 : vector<96x128xf32>
      %slice3A_1121 = vector.extract_strided_slice %convert_element_type3A_1060 {offsets = [0, 15, 0], sizes = [96, 1, 128], strides = [1, 1, 1]} : vector<96x16x128xbf16> to vector<96x1x128xbf16>
      %squeeze3A_1122 = vector.shape_cast %slice3A_1121 : vector<96x1x128xbf16> to vector<96x128xbf16>
      %convert_element_type3A_1123 = arith.extf %squeeze3A_1122 : vector<96x128xbf16> to vector<96x128xf32>
      %add3A_1124 = arith.addf %add3A_1120, %convert_element_type3A_1123 : vector<96x128xf32>
      %get3A_1125 = arith.constant 14336 : index
      %get3A_1126 = arith.constant 0 : index
      %get3A_1127 = vector.load %arg1[%get3A_1125, %get3A_1126] : memref<16384x128xf32, #tpu.memory_space<vmem>>, vector<2048x128xf32>
      %convert_element_type3A_1128 = arith.truncf %get3A_1127 : vector<2048x128xf32> to vector<2048x128xbf16>
      %dot_general3A_1129 = arith.constant dense<0.000000e+00> : vector<1x128xf32>
      %dot_general3A_1130 = tpu.matmul %broadcast_in_dim3A_208, %convert_element_type3A_1128, %dot_general3A_1129 {dimension_numbers = #tpu.dot_dimension_numbers<[1], [0], [0], [1], [0, 0, 1, 1], [], []>, transpose_lhs_hint = false} : vector<1x2048xbf16>, vector<2048x128xbf16>, vector<1x128xf32> -> vector<1x128xf32>
      %add3A_1131 = arith.addf %add3A_1001, %dot_general3A_1130 : vector<1x128xf32>
      %mul3A_1132 = arith.mulf %convert_element_type3A_1128, %convert_element_type3A_1128 : vector<2048x128xbf16>
      %dot_general3A_1133 = arith.constant dense<0.000000e+00> : vector<1x128xf32>
      %dot_general3A_1134 = tpu.matmul %broadcast_in_dim3A_208, %mul3A_1132, %dot_general3A_1133 {dimension_numbers = #tpu.dot_dimension_numbers<[1], [0], [0], [1], [0, 0, 1, 1], [], []>, transpose_lhs_hint = false} : vector<1x2048xbf16>, vector<2048x128xbf16>, vector<1x128xf32> -> vector<1x128xf32>
      %add3A_1135 = arith.addf %add3A_1005, %dot_general3A_1134 : vector<1x128xf32>
      %get3A_1136 = arith.constant 112 : index
      %get3A_1137 = arith.constant 0 : index
      %get3A_1138 = vector.load %arg2[%get3A_1136, %get3A_1137] : memref<128x128xi32, #tpu.memory_space<vmem>>, vector<16x128xi32>
      %iota3A_1139 = tpu.iota {dimensions = array<i32: 0>} : vector<96x1x1xi32>
      %lt3A_1140 = arith.constant 32 : i32
      %lt3A_1141 = vector.broadcast %lt3A_1140 : i32 to vector<96x1x1xi32>
      %lt3A_1142 = arith.cmpi slt, %iota3A_1139, %lt3A_1141 : vector<96x1x1xi32>
      %lt3A_1143 = arith.constant 64 : i32
      %lt3A_1144 = vector.broadcast %lt3A_1143 : i32 to vector<96x1x1xi32>
      %lt3A_1145 = arith.cmpi slt, %iota3A_1139, %lt3A_1144 : vector<96x1x1xi32>
      %jit3A_1146 = arith.constant 5 : i32
      %jit3A_1147 = arith.constant 10 : i32
      %broadcast_in_dim3A_1148 = vector.broadcast %jit3A_1146 : i32 to vector<96x1x1xi32>
      %broadcast_in_dim3A_1149 = vector.broadcast %jit3A_1147 : i32 to vector<96x1x1xi32>
      %select_n3A_1150 = arith.select %lt3A_1145, %broadcast_in_dim3A_1148, %broadcast_in_dim3A_1149 : vector<96x1x1xi1>, vector<96x1x1xi32>
      %jit3A_1151 = arith.constant 0 : i32
      %broadcast_in_dim3A_1152 = vector.broadcast %jit3A_1151 : i32 to vector<96x1x1xi32>
      %select_n3A_1153 = arith.select %lt3A_1142, %broadcast_in_dim3A_1152, %select_n3A_1150 : vector<96x1x1xi1>, vector<96x1x1xi32>
      %jit3A_1154 = arith.constant 32 : i32
      %eq3A_1155 = arith.constant 0 : i32
      %eq3A_1156 = arith.cmpi eq, %jit3A_1154, %eq3A_1155 : i32
      %jit3A_1157 = arith.constant 1 : i32
      %select_n3A_1158 = arith.select %eq3A_1156, %jit3A_1157, %jit3A_1154 : i32
      %rem3A_1159 = vector.broadcast %select_n3A_1158 : i32 to vector<96x1x1xi32>
      %rem3A_1160 = arith.remsi %iota3A_1139, %rem3A_1159 : vector<96x1x1xi32>
      %ne3A_1161 = arith.constant 0 : i32
      %ne3A_1162 = vector.broadcast %ne3A_1161 : i32 to vector<96x1x1xi32>
      %ne3A_1163 = arith.cmpi ne, %rem3A_1160, %ne3A_1162 : vector<96x1x1xi32>
      %lt3A_1164 = arith.constant 0 : i32
      %lt3A_1165 = vector.broadcast %lt3A_1164 : i32 to vector<96x1x1xi32>
      %lt3A_1166 = arith.cmpi slt, %rem3A_1160, %lt3A_1165 : vector<96x1x1xi32>
      %lt3A_1167 = arith.constant 0 : i32
      %lt3A_1168 = arith.cmpi slt, %select_n3A_1158, %lt3A_1167 : i32
      %ne3A_1169 = vector.broadcast %lt3A_1168 : i1 to vector<96x1x1xi1>
      %ne3A_1170 = vector.broadcast %ne3A_1169 : vector<96x1x1xi1> to vector<96x1x1xi1>
      %ne3A_1171 = arith.xori %lt3A_1166, %ne3A_1170 : vector<96x1x1xi1>
      %and3A_1172 = arith.andi %ne3A_1171, %ne3A_1163 : vector<96x1x1xi1>
      %add3A_1173 = vector.broadcast %select_n3A_1158 : i32 to vector<96x1x1xi32>
      %add3A_1174 = arith.addi %rem3A_1160, %add3A_1173 : vector<96x1x1xi32>
      %select_n3A_1175 = arith.select %and3A_1172, %add3A_1174, %rem3A_1160 : vector<96x1x1xi1>, vector<96x1x1xi32>
      %broadcast_in_dim3A_1176 = vector.shape_cast %get3A_1138 : vector<16x128xi32> to vector<1x16x128xi32>
      %shift_right_logical3A_1177 = vector.broadcast %broadcast_in_dim3A_1176 : vector<1x16x128xi32> to vector<96x16x128xi32>
      %shift_right_logical3A_1178 = vector.broadcast %select_n3A_1153 : vector<96x1x1xi32> to vector<96x16x128xi32>
      %shift_right_logical3A_1179 = arith.shrui %shift_right_logical3A_1177, %shift_right_logical3A_1178 : vector<96x16x128xi32>
      %and3A_1180 = arith.constant 31 : i32
      %and3A_1181 = vector.broadcast %and3A_1180 : i32 to vector<96x16x128xi32>
      %and3A_1182 = arith.andi %shift_right_logical3A_1179, %and3A_1181 : vector<96x16x128xi32>
      %eq3A_1183 = vector.broadcast %select_n3A_1175 : vector<96x1x1xi32> to vector<96x16x128xi32>
      %eq3A_1184 = arith.cmpi eq, %and3A_1182, %eq3A_1183 : vector<96x16x128xi32>
      %jit3A_1185 = arith.constant 1.000000e+00 : f32
      %jit3A_1186 = arith.constant 0.000000e+00 : f32
      %broadcast_in_dim3A_1187 = vector.broadcast %jit3A_1185 : f32 to vector<96x16x128xf32>
      %broadcast_in_dim3A_1188 = vector.broadcast %jit3A_1186 : f32 to vector<96x16x128xf32>
      %select_n3A_1189 = arith.select %eq3A_1184, %broadcast_in_dim3A_1187, %broadcast_in_dim3A_1188 : vector<96x16x128xi1>, vector<96x16x128xf32>
      %convert_element_type3A_1190 = arith.truncf %select_n3A_1189 : vector<96x16x128xf32> to vector<96x16x128xbf16>
      %slice3A_1191 = vector.extract_strided_slice %convert_element_type3A_1190 {offsets = [0, 0, 0], sizes = [96, 1, 128], strides = [1, 1, 1]} : vector<96x16x128xbf16> to vector<96x1x128xbf16>
      %squeeze3A_1192 = vector.shape_cast %slice3A_1191 : vector<96x1x128xbf16> to vector<96x128xbf16>
      %convert_element_type3A_1193 = arith.extf %squeeze3A_1192 : vector<96x128xbf16> to vector<96x128xf32>
      %add3A_1194 = arith.addf %add3A_1124, %convert_element_type3A_1193 : vector<96x128xf32>
      %slice3A_1195 = vector.extract_strided_slice %convert_element_type3A_1190 {offsets = [0, 1, 0], sizes = [96, 1, 128], strides = [1, 1, 1]} : vector<96x16x128xbf16> to vector<96x1x128xbf16>
      %squeeze3A_1196 = vector.shape_cast %slice3A_1195 : vector<96x1x128xbf16> to vector<96x128xbf16>
      %convert_element_type3A_1197 = arith.extf %squeeze3A_1196 : vector<96x128xbf16> to vector<96x128xf32>
      %add3A_1198 = arith.addf %add3A_1194, %convert_element_type3A_1197 : vector<96x128xf32>
      %slice3A_1199 = vector.extract_strided_slice %convert_element_type3A_1190 {offsets = [0, 2, 0], sizes = [96, 1, 128], strides = [1, 1, 1]} : vector<96x16x128xbf16> to vector<96x1x128xbf16>
      %squeeze3A_1200 = vector.shape_cast %slice3A_1199 : vector<96x1x128xbf16> to vector<96x128xbf16>
      %convert_element_type3A_1201 = arith.extf %squeeze3A_1200 : vector<96x128xbf16> to vector<96x128xf32>
      %add3A_1202 = arith.addf %add3A_1198, %convert_element_type3A_1201 : vector<96x128xf32>
      %slice3A_1203 = vector.extract_strided_slice %convert_element_type3A_1190 {offsets = [0, 3, 0], sizes = [96, 1, 128], strides = [1, 1, 1]} : vector<96x16x128xbf16> to vector<96x1x128xbf16>
      %squeeze3A_1204 = vector.shape_cast %slice3A_1203 : vector<96x1x128xbf16> to vector<96x128xbf16>
      %convert_element_type3A_1205 = arith.extf %squeeze3A_1204 : vector<96x128xbf16> to vector<96x128xf32>
      %add3A_1206 = arith.addf %add3A_1202, %convert_element_type3A_1205 : vector<96x128xf32>
      %slice3A_1207 = vector.extract_strided_slice %convert_element_type3A_1190 {offsets = [0, 4, 0], sizes = [96, 1, 128], strides = [1, 1, 1]} : vector<96x16x128xbf16> to vector<96x1x128xbf16>
      %squeeze3A_1208 = vector.shape_cast %slice3A_1207 : vector<96x1x128xbf16> to vector<96x128xbf16>
      %convert_element_type3A_1209 = arith.extf %squeeze3A_1208 : vector<96x128xbf16> to vector<96x128xf32>
      %add3A_1210 = arith.addf %add3A_1206, %convert_element_type3A_1209 : vector<96x128xf32>
      %slice3A_1211 = vector.extract_strided_slice %convert_element_type3A_1190 {offsets = [0, 5, 0], sizes = [96, 1, 128], strides = [1, 1, 1]} : vector<96x16x128xbf16> to vector<96x1x128xbf16>
      %squeeze3A_1212 = vector.shape_cast %slice3A_1211 : vector<96x1x128xbf16> to vector<96x128xbf16>
      %convert_element_type3A_1213 = arith.extf %squeeze3A_1212 : vector<96x128xbf16> to vector<96x128xf32>
      %add3A_1214 = arith.addf %add3A_1210, %convert_element_type3A_1213 : vector<96x128xf32>
      %slice3A_1215 = vector.extract_strided_slice %convert_element_type3A_1190 {offsets = [0, 6, 0], sizes = [96, 1, 128], strides = [1, 1, 1]} : vector<96x16x128xbf16> to vector<96x1x128xbf16>
      %squeeze3A_1216 = vector.shape_cast %slice3A_1215 : vector<96x1x128xbf16> to vector<96x128xbf16>
      %convert_element_type3A_1217 = arith.extf %squeeze3A_1216 : vector<96x128xbf16> to vector<96x128xf32>
      %add3A_1218 = arith.addf %add3A_1214, %convert_element_type3A_1217 : vector<96x128xf32>
      %slice3A_1219 = vector.extract_strided_slice %convert_element_type3A_1190 {offsets = [0, 7, 0], sizes = [96, 1, 128], strides = [1, 1, 1]} : vector<96x16x128xbf16> to vector<96x1x128xbf16>
      %squeeze3A_1220 = vector.shape_cast %slice3A_1219 : vector<96x1x128xbf16> to vector<96x128xbf16>
      %convert_element_type3A_1221 = arith.extf %squeeze3A_1220 : vector<96x128xbf16> to vector<96x128xf32>
      %add3A_1222 = arith.addf %add3A_1218, %convert_element_type3A_1221 : vector<96x128xf32>
      %slice3A_1223 = vector.extract_strided_slice %convert_element_type3A_1190 {offsets = [0, 8, 0], sizes = [96, 1, 128], strides = [1, 1, 1]} : vector<96x16x128xbf16> to vector<96x1x128xbf16>
      %squeeze3A_1224 = vector.shape_cast %slice3A_1223 : vector<96x1x128xbf16> to vector<96x128xbf16>
      %convert_element_type3A_1225 = arith.extf %squeeze3A_1224 : vector<96x128xbf16> to vector<96x128xf32>
      %add3A_1226 = arith.addf %add3A_1222, %convert_element_type3A_1225 : vector<96x128xf32>
      %slice3A_1227 = vector.extract_strided_slice %convert_element_type3A_1190 {offsets = [0, 9, 0], sizes = [96, 1, 128], strides = [1, 1, 1]} : vector<96x16x128xbf16> to vector<96x1x128xbf16>
      %squeeze3A_1228 = vector.shape_cast %slice3A_1227 : vector<96x1x128xbf16> to vector<96x128xbf16>
      %convert_element_type3A_1229 = arith.extf %squeeze3A_1228 : vector<96x128xbf16> to vector<96x128xf32>
      %add3A_1230 = arith.addf %add3A_1226, %convert_element_type3A_1229 : vector<96x128xf32>
      %slice3A_1231 = vector.extract_strided_slice %convert_element_type3A_1190 {offsets = [0, 10, 0], sizes = [96, 1, 128], strides = [1, 1, 1]} : vector<96x16x128xbf16> to vector<96x1x128xbf16>
      %squeeze3A_1232 = vector.shape_cast %slice3A_1231 : vector<96x1x128xbf16> to vector<96x128xbf16>
      %convert_element_type3A_1233 = arith.extf %squeeze3A_1232 : vector<96x128xbf16> to vector<96x128xf32>
      %add3A_1234 = arith.addf %add3A_1230, %convert_element_type3A_1233 : vector<96x128xf32>
      %slice3A_1235 = vector.extract_strided_slice %convert_element_type3A_1190 {offsets = [0, 11, 0], sizes = [96, 1, 128], strides = [1, 1, 1]} : vector<96x16x128xbf16> to vector<96x1x128xbf16>
      %squeeze3A_1236 = vector.shape_cast %slice3A_1235 : vector<96x1x128xbf16> to vector<96x128xbf16>
      %convert_element_type3A_1237 = arith.extf %squeeze3A_1236 : vector<96x128xbf16> to vector<96x128xf32>
      %add3A_1238 = arith.addf %add3A_1234, %convert_element_type3A_1237 : vector<96x128xf32>
      %slice3A_1239 = vector.extract_strided_slice %convert_element_type3A_1190 {offsets = [0, 12, 0], sizes = [96, 1, 128], strides = [1, 1, 1]} : vector<96x16x128xbf16> to vector<96x1x128xbf16>
      %squeeze3A_1240 = vector.shape_cast %slice3A_1239 : vector<96x1x128xbf16> to vector<96x128xbf16>
      %convert_element_type3A_1241 = arith.extf %squeeze3A_1240 : vector<96x128xbf16> to vector<96x128xf32>
      %add3A_1242 = arith.addf %add3A_1238, %convert_element_type3A_1241 : vector<96x128xf32>
      %slice3A_1243 = vector.extract_strided_slice %convert_element_type3A_1190 {offsets = [0, 13, 0], sizes = [96, 1, 128], strides = [1, 1, 1]} : vector<96x16x128xbf16> to vector<96x1x128xbf16>
      %squeeze3A_1244 = vector.shape_cast %slice3A_1243 : vector<96x1x128xbf16> to vector<96x128xbf16>
      %convert_element_type3A_1245 = arith.extf %squeeze3A_1244 : vector<96x128xbf16> to vector<96x128xf32>
      %add3A_1246 = arith.addf %add3A_1242, %convert_element_type3A_1245 : vector<96x128xf32>
      %slice3A_1247 = vector.extract_strided_slice %convert_element_type3A_1190 {offsets = [0, 14, 0], sizes = [96, 1, 128], strides = [1, 1, 1]} : vector<96x16x128xbf16> to vector<96x1x128xbf16>
      %squeeze3A_1248 = vector.shape_cast %slice3A_1247 : vector<96x1x128xbf16> to vector<96x128xbf16>
      %convert_element_type3A_1249 = arith.extf %squeeze3A_1248 : vector<96x128xbf16> to vector<96x128xf32>
      %add3A_1250 = arith.addf %add3A_1246, %convert_element_type3A_1249 : vector<96x128xf32>
      %slice3A_1251 = vector.extract_strided_slice %convert_element_type3A_1190 {offsets = [0, 15, 0], sizes = [96, 1, 128], strides = [1, 1, 1]} : vector<96x16x128xbf16> to vector<96x1x128xbf16>
      %squeeze3A_1252 = vector.shape_cast %slice3A_1251 : vector<96x1x128xbf16> to vector<96x128xbf16>
      %convert_element_type3A_1253 = arith.extf %squeeze3A_1252 : vector<96x128xbf16> to vector<96x128xf32>
      %add3A_1254 = arith.addf %add3A_1250, %convert_element_type3A_1253 : vector<96x128xf32>
      %reduce_sum3A = arith.constant dense<0.000000e+00> : vector<96xf32>
      %reduce_sum3A_1255 = vector.multi_reduction <add>, %add3A_1254, %reduce_sum3A [1] : vector<96x128xf32> to vector<96xf32>
      %broadcast_in_dim3A_1256 = vector.shape_cast %reduce_sum3A_1255 : vector<96xf32> to vector<96x1xf32>
      %get3A_1257 = arith.constant 0 : index
      %get3A_1258 = vector.load %arg7[%get3A_1257] : memref<99xf32, #tpu.memory_space<vmem>>, vector<64xf32>
      %reshape3A = vector.shape_cast %get3A_1258 : vector<64xf32> to vector<1x64xf32>
      %get3A_1259 = arith.constant 0 : index
      %get3A_1260 = vector.load %arg8[%get3A_1259] : memref<99xf32, #tpu.memory_space<vmem>>, vector<64xf32>
      %reshape3A_1261 = vector.shape_cast %get3A_1260 : vector<64xf32> to vector<1x64xf32>
      %slice3A_1262 = vector.extract_strided_slice %add3A_1131 {offsets = [0, 0], sizes = [1, 64], strides = [1, 1]} : vector<1x128xf32> to vector<1x64xf32>
      %mul3A_1263 = vector.broadcast %cond3A : f32 to vector<1x64xf32>
      %mul3A_1264 = arith.mulf %slice3A_1262, %mul3A_1263 : vector<1x64xf32>
      %slice3A_1265 = vector.extract_strided_slice %add3A_1135 {offsets = [0, 0], sizes = [1, 64], strides = [1, 1]} : vector<1x128xf32> to vector<1x64xf32>
      %mul3A_1266 = vector.broadcast %cond3A : f32 to vector<1x64xf32>
      %mul3A_1267 = arith.mulf %slice3A_1265, %mul3A_1266 : vector<1x64xf32>
      %mul3A_1268 = arith.mulf %mul3A_1264, %mul3A_1264 : vector<1x64xf32>
      %sub3A = arith.subf %mul3A_1267, %mul3A_1268 : vector<1x64xf32>
      %add3A_1269 = arith.constant 1.000000e-03 : f32
      %add3A_1270 = vector.broadcast %add3A_1269 : f32 to vector<1x64xf32>
      %add3A_1271 = arith.addf %sub3A, %add3A_1270 : vector<1x64xf32>
      %rsqrt3A = math.rsqrt %add3A_1271 : vector<1x64xf32>
      %mul3A_1272 = arith.mulf %reshape3A, %rsqrt3A : vector<1x64xf32>
      %get3A_1273 = arith.constant 0 : index
      %get3A_1274 = arith.constant 0 : index
      %get3A_1275 = vector.load %arg6[%get3A_1273, %get3A_1274] : memref<99x128xf32, #tpu.memory_space<vmem>>, vector<64x128xf32>
      %transpose3A = tpu.transpose %mul3A_1272, [1, 0] : vector<1x64xf32> -> vector<64x1xf32>
      %mul3A_1276 = vector.broadcast %transpose3A : vector<64x1xf32> to vector<64x128xf32>
      %mul3A_1277 = arith.mulf %get3A_1275, %mul3A_1276 : vector<64x128xf32>
      %convert_element_type3A_1278 = arith.truncf %mul3A_1277 : vector<64x128xf32> to vector<64x128xbf16>
      %swap3A_1279 = arith.constant 0 : index
      %swap3A_1280 = arith.constant 0 : index
      %swap3A_1281 = vector.load %arg12[%swap3A_1279, %swap3A_1280] : memref<128x128xbf16, #tpu.memory_space<vmem>>, vector<64x128xbf16>
      tpu.vector_store %arg12[%swap3A_1279, %swap3A_1280], %convert_element_type3A_1278 {strides = array<i32>} : memref<128x128xbf16, #tpu.memory_space<vmem>>, vector<64x128xbf16>,
      %broadcast_in_dim3A_1282 = arith.constant 0.000000e+00 : bf16
      %broadcast_in_dim3A_1283 = vector.broadcast %broadcast_in_dim3A_1282 : bf16 to vector<64x128xbf16>
      %swap3A_1284 = arith.constant 64 : index
      %swap3A_1285 = arith.constant 0 : index
      %swap3A_1286 = vector.load %arg12[%swap3A_1284, %swap3A_1285] : memref<128x128xbf16, #tpu.memory_space<vmem>>, vector<64x128xbf16>
      tpu.vector_store %arg12[%swap3A_1284, %swap3A_1285], %broadcast_in_dim3A_1283 {strides = array<i32>} : memref<128x128xbf16, #tpu.memory_space<vmem>>, vector<64x128xbf16>,
      %broadcast_in_dim3A_1287 = arith.constant 0.000000e+00 : bf16
      %broadcast_in_dim3A_1288 = vector.broadcast %broadcast_in_dim3A_1287 : bf16 to vector<96x128xbf16>
      %swap3A_1289 = arith.constant 0 : index
      %swap3A_1290 = arith.constant 0 : index
      %swap3A_1291 = vector.load %arg10[%swap3A_1289, %swap3A_1290] : memref<96x128xbf16, #tpu.memory_space<vmem>>, vector<96x128xbf16>
      tpu.vector_store %arg10[%swap3A_1289, %swap3A_1290], %broadcast_in_dim3A_1288 {strides = array<i32>} : memref<96x128xbf16, #tpu.memory_space<vmem>>, vector<96x128xbf16>,
      %mul3A_1292 = arith.mulf %mul3A_1264, %mul3A_1272 : vector<1x64xf32>
      %sub3A_1293 = arith.subf %reshape3A_1261, %mul3A_1292 : vector<1x64xf32>
      %dot_general3A_1294 = arith.constant dense<0.000000e+00> : vector<1x128xf32>
      %dot_general3A_1295 = tpu.matmul %sub3A_1293, %get3A_1275, %dot_general3A_1294 {dimension_numbers = #tpu.dot_dimension_numbers<[1], [0], [0], [1], [0, 0, 1, 1], [], []>, transpose_lhs_hint = false} : vector<1x64xf32>, vector<64x128xf32>, vector<1x128xf32> -> vector<1x128xf32>
      %get3A_1296 = arith.constant 0 : index
      %get3A_1297 = arith.constant 0 : index
      %get3A_1298 = vector.load %arg3[%get3A_1296, %get3A_1297] : memref<10x20xf32, #tpu.memory_space<vmem>>, vector<10x20xf32>
      %get3A_1299 = arith.constant 64 : index
      %get3A_1300 = arith.constant 0 : index
      %get3A_1301 = vector.load %arg6[%get3A_1299, %get3A_1300] : memref<99x128xf32, #tpu.memory_space<vmem>>, vector<10x128xf32>
      %get3A_1302 = arith.constant 64 : index
      %get3A_1303 = vector.load %arg7[%get3A_1302] : memref<99xf32, #tpu.memory_space<vmem>>, vector<10xf32>
      %reshape3A_1304 = vector.shape_cast %get3A_1303 : vector<10xf32> to vector<1x10xf32>
      %transpose3A_1305 = tpu.transpose %reshape3A_1304, [1, 0] : vector<1x10xf32> -> vector<10x1xf32>
      %get3A_1306 = arith.constant 64 : index
      %get3A_1307 = vector.load %arg8[%get3A_1306] : memref<99xf32, #tpu.memory_space<vmem>>, vector<10xf32>
      %reshape3A_1308 = vector.shape_cast %get3A_1307 : vector<10xf32> to vector<1x10xf32>
      %transpose3A_1309 = tpu.transpose %reshape3A_1308, [1, 0] : vector<1x10xf32> -> vector<10x1xf32>
      %slice3A_1310 = vector.extract_strided_slice %broadcast_in_dim3A_1256 {offsets = [0, 0], sizes = [20, 1], strides = [1, 1]} : vector<96x1xf32> to vector<20x1xf32>
      %dot_general3A_1311 = arith.constant dense<0.000000e+00> : vector<10x1xf32>
      %dot_general3A_1312 = tpu.matmul %get3A_1298, %slice3A_1310, %dot_general3A_1311 {dimension_numbers = #tpu.dot_dimension_numbers<[1], [0], [0], [1], [0, 0, 1, 1], [], []>, transpose_lhs_hint = false} : vector<10x20xf32>, vector<20x1xf32>, vector<10x1xf32> -> vector<10x1xf32>
      %mul3A_1313 = vector.broadcast %cond3A : f32 to vector<10x1xf32>
      %mul3A_1314 = arith.mulf %dot_general3A_1312, %mul3A_1313 : vector<10x1xf32>
      %mul3A_1315 = arith.mulf %get3A_1298, %get3A_1298 : vector<10x20xf32>
      %dot_general3A_1316 = arith.constant dense<0.000000e+00> : vector<10x1xf32>
      %dot_general3A_1317 = tpu.matmul %mul3A_1315, %slice3A_1310, %dot_general3A_1316 {dimension_numbers = #tpu.dot_dimension_numbers<[1], [0], [0], [1], [0, 0, 1, 1], [], []>, transpose_lhs_hint = false} : vector<10x20xf32>, vector<20x1xf32>, vector<10x1xf32> -> vector<10x1xf32>
      %mul3A_1318 = vector.broadcast %cond3A : f32 to vector<10x1xf32>
      %mul3A_1319 = arith.mulf %dot_general3A_1317, %mul3A_1318 : vector<10x1xf32>
      %mul3A_1320 = arith.mulf %mul3A_1314, %mul3A_1314 : vector<10x1xf32>
      %sub3A_1321 = arith.subf %mul3A_1319, %mul3A_1320 : vector<10x1xf32>
      %add3A_1322 = arith.constant 1.000000e-03 : f32
      %add3A_1323 = vector.broadcast %add3A_1322 : f32 to vector<10x1xf32>
      %add3A_1324 = arith.addf %sub3A_1321, %add3A_1323 : vector<10x1xf32>
      %rsqrt3A_1325 = math.rsqrt %add3A_1324 : vector<10x1xf32>
      %mul3A_1326 = arith.mulf %transpose3A_1305, %rsqrt3A_1325 : vector<10x1xf32>
      %mul3A_1327 = vector.broadcast %mul3A_1326 : vector<10x1xf32> to vector<10x20xf32>
      %mul3A_1328 = arith.mulf %get3A_1298, %mul3A_1327 : vector<10x20xf32>
      %dot_general3A_1329 = arith.constant dense<0.000000e+00> : vector<20x128xf32>
      %dot_general3A_1330 = tpu.matmul %mul3A_1328, %get3A_1301, %dot_general3A_1329 {dimension_numbers = #tpu.dot_dimension_numbers<[0], [0], [1], [1], [0, 1, 1, 1], [], []>, transpose_lhs_hint = false} : vector<10x20xf32>, vector<10x128xf32>, vector<20x128xf32> -> vector<20x128xf32>
      %convert_element_type3A_1331 = arith.truncf %dot_general3A_1330 : vector<20x128xf32> to vector<20x128xbf16>
      %swap3A_1332 = arith.constant 0 : index
      %swap3A_1333 = arith.constant 0 : index
      %swap3A_1334 = vector.load %arg10[%swap3A_1332, %swap3A_1333] : memref<96x128xbf16, #tpu.memory_space<vmem>>, vector<20x128xbf16>
      tpu.vector_store %arg10[%swap3A_1332, %swap3A_1333], %convert_element_type3A_1331 {strides = array<i32>} : memref<96x128xbf16, #tpu.memory_space<vmem>>, vector<20x128xbf16>,
      %mul3A_1335 = arith.mulf %mul3A_1314, %mul3A_1326 : vector<10x1xf32>
      %sub3A_1336 = arith.subf %transpose3A_1309, %mul3A_1335 : vector<10x1xf32>
      %dot_general3A_1337 = arith.constant dense<0.000000e+00> : vector<1x128xf32>
      %dot_general3A_1338 = tpu.matmul %sub3A_1336, %get3A_1301, %dot_general3A_1337 {dimension_numbers = #tpu.dot_dimension_numbers<[0], [0], [1], [1], [0, 1, 1, 1], [], []>, transpose_lhs_hint = false} : vector<10x1xf32>, vector<10x128xf32>, vector<1x128xf32> -> vector<1x128xf32>
      %add3A_1339 = arith.addf %dot_general3A_1295, %dot_general3A_1338 : vector<1x128xf32>
      %get3A_1340 = arith.constant 0 : index
      %get3A_1341 = arith.constant 0 : index
      %get3A_1342 = vector.load %arg4[%get3A_1340, %get3A_1341] : memref<15x31xf32, #tpu.memory_space<vmem>>, vector<15x31xf32>
      %get3A_1343 = arith.constant 74 : index
      %get3A_1344 = arith.constant 0 : index
      %get3A_1345 = vector.load %arg6[%get3A_1343, %get3A_1344] : memref<99x128xf32, #tpu.memory_space<vmem>>, vector<15x128xf32>
      %get3A_1346 = arith.constant 74 : index
      %get3A_1347 = vector.load %arg7[%get3A_1346] : memref<99xf32, #tpu.memory_space<vmem>>, vector<15xf32>
      %reshape3A_1348 = vector.shape_cast %get3A_1347 : vector<15xf32> to vector<1x15xf32>
      %transpose3A_1349 = tpu.transpose %reshape3A_1348, [1, 0] : vector<1x15xf32> -> vector<15x1xf32>
      %get3A_1350 = arith.constant 74 : index
      %get3A_1351 = vector.load %arg8[%get3A_1350] : memref<99xf32, #tpu.memory_space<vmem>>, vector<15xf32>
      %reshape3A_1352 = vector.shape_cast %get3A_1351 : vector<15xf32> to vector<1x15xf32>
      %transpose3A_1353 = tpu.transpose %reshape3A_1352, [1, 0] : vector<1x15xf32> -> vector<15x1xf32>
      %slice3A_1354 = vector.extract_strided_slice %broadcast_in_dim3A_1256 {offsets = [32, 0], sizes = [31, 1], strides = [1, 1]} : vector<96x1xf32> to vector<31x1xf32>
      %dot_general3A_1355 = arith.constant dense<0.000000e+00> : vector<15x1xf32>
      %dot_general3A_1356 = tpu.matmul %get3A_1342, %slice3A_1354, %dot_general3A_1355 {dimension_numbers = #tpu.dot_dimension_numbers<[1], [0], [0], [1], [0, 0, 1, 1], [], []>, transpose_lhs_hint = false} : vector<15x31xf32>, vector<31x1xf32>, vector<15x1xf32> -> vector<15x1xf32>
      %mul3A_1357 = vector.broadcast %cond3A : f32 to vector<15x1xf32>
      %mul3A_1358 = arith.mulf %dot_general3A_1356, %mul3A_1357 : vector<15x1xf32>
      %mul3A_1359 = arith.mulf %get3A_1342, %get3A_1342 : vector<15x31xf32>
      %dot_general3A_1360 = arith.constant dense<0.000000e+00> : vector<15x1xf32>
      %dot_general3A_1361 = tpu.matmul %mul3A_1359, %slice3A_1354, %dot_general3A_1360 {dimension_numbers = #tpu.dot_dimension_numbers<[1], [0], [0], [1], [0, 0, 1, 1], [], []>, transpose_lhs_hint = false} : vector<15x31xf32>, vector<31x1xf32>, vector<15x1xf32> -> vector<15x1xf32>
      %mul3A_1362 = vector.broadcast %cond3A : f32 to vector<15x1xf32>
      %mul3A_1363 = arith.mulf %dot_general3A_1361, %mul3A_1362 : vector<15x1xf32>
      %mul3A_1364 = arith.mulf %mul3A_1358, %mul3A_1358 : vector<15x1xf32>
      %sub3A_1365 = arith.subf %mul3A_1363, %mul3A_1364 : vector<15x1xf32>
      %add3A_1366 = arith.constant 1.000000e-03 : f32
      %add3A_1367 = vector.broadcast %add3A_1366 : f32 to vector<15x1xf32>
      %add3A_1368 = arith.addf %sub3A_1365, %add3A_1367 : vector<15x1xf32>
      %rsqrt3A_1369 = math.rsqrt %add3A_1368 : vector<15x1xf32>
      %mul3A_1370 = arith.mulf %transpose3A_1349, %rsqrt3A_1369 : vector<15x1xf32>
      %mul3A_1371 = vector.broadcast %mul3A_1370 : vector<15x1xf32> to vector<15x31xf32>
      %mul3A_1372 = arith.mulf %get3A_1342, %mul3A_1371 : vector<15x31xf32>
      %dot_general3A_1373 = arith.constant dense<0.000000e+00> : vector<31x128xf32>
      %dot_general3A_1374 = tpu.matmul %mul3A_1372, %get3A_1345, %dot_general3A_1373 {dimension_numbers = #tpu.dot_dimension_numbers<[0], [0], [1], [1], [0, 1, 1, 1], [], []>, transpose_lhs_hint = false} : vector<15x31xf32>, vector<15x128xf32>, vector<31x128xf32> -> vector<31x128xf32>
      %convert_element_type3A_1375 = arith.truncf %dot_general3A_1374 : vector<31x128xf32> to vector<31x128xbf16>
      %swap3A_1376 = arith.constant 32 : index
      %swap3A_1377 = arith.constant 0 : index
      %swap3A_1378 = vector.load %arg10[%swap3A_1376, %swap3A_1377] : memref<96x128xbf16, #tpu.memory_space<vmem>>, vector<31x128xbf16>
      tpu.vector_store %arg10[%swap3A_1376, %swap3A_1377], %convert_element_type3A_1375 {strides = array<i32>} : memref<96x128xbf16, #tpu.memory_space<vmem>>, vector<31x128xbf16>,
      %mul3A_1379 = arith.mulf %mul3A_1358, %mul3A_1370 : vector<15x1xf32>
      %sub3A_1380 = arith.subf %transpose3A_1353, %mul3A_1379 : vector<15x1xf32>
      %dot_general3A_1381 = arith.constant dense<0.000000e+00> : vector<1x128xf32>
      %dot_general3A_1382 = tpu.matmul %sub3A_1380, %get3A_1345, %dot_general3A_1381 {dimension_numbers = #tpu.dot_dimension_numbers<[0], [0], [1], [1], [0, 1, 1, 1], [], []>, transpose_lhs_hint = false} : vector<15x1xf32>, vector<15x128xf32>, vector<1x128xf32> -> vector<1x128xf32>
      %add3A_1383 = arith.addf %add3A_1339, %dot_general3A_1382 : vector<1x128xf32>
      %get3A_1384 = arith.constant 0 : index
      %get3A_1385 = arith.constant 0 : index
      %get3A_1386 = vector.load %arg5[%get3A_1384, %get3A_1385] : memref<10x21xf32, #tpu.memory_space<vmem>>, vector<10x21xf32>
      %get3A_1387 = arith.constant 89 : index
      %get3A_1388 = arith.constant 0 : index
      %get3A_1389 = vector.load %arg6[%get3A_1387, %get3A_1388] : memref<99x128xf32, #tpu.memory_space<vmem>>, vector<10x128xf32>
      %get3A_1390 = arith.constant 89 : index
      %get3A_1391 = vector.load %arg7[%get3A_1390] : memref<99xf32, #tpu.memory_space<vmem>>, vector<10xf32>
      %reshape3A_1392 = vector.shape_cast %get3A_1391 : vector<10xf32> to vector<1x10xf32>
      %transpose3A_1393 = tpu.transpose %reshape3A_1392, [1, 0] : vector<1x10xf32> -> vector<10x1xf32>
      %get3A_1394 = arith.constant 89 : index
      %get3A_1395 = vector.load %arg8[%get3A_1394] : memref<99xf32, #tpu.memory_space<vmem>>, vector<10xf32>
      %reshape3A_1396 = vector.shape_cast %get3A_1395 : vector<10xf32> to vector<1x10xf32>
      %transpose3A_1397 = tpu.transpose %reshape3A_1396, [1, 0] : vector<1x10xf32> -> vector<10x1xf32>
      %slice3A_1398 = vector.extract_strided_slice %broadcast_in_dim3A_1256 {offsets = [64, 0], sizes = [21, 1], strides = [1, 1]} : vector<96x1xf32> to vector<21x1xf32>
      %dot_general3A_1399 = arith.constant dense<0.000000e+00> : vector<10x1xf32>
      %dot_general3A_1400 = tpu.matmul %get3A_1386, %slice3A_1398, %dot_general3A_1399 {dimension_numbers = #tpu.dot_dimension_numbers<[1], [0], [0], [1], [0, 0, 1, 1], [], []>, transpose_lhs_hint = false} : vector<10x21xf32>, vector<21x1xf32>, vector<10x1xf32> -> vector<10x1xf32>
      %mul3A_1401 = vector.broadcast %cond3A : f32 to vector<10x1xf32>
      %mul3A_1402 = arith.mulf %dot_general3A_1400, %mul3A_1401 : vector<10x1xf32>
      %mul3A_1403 = arith.mulf %get3A_1386, %get3A_1386 : vector<10x21xf32>
      %dot_general3A_1404 = arith.constant dense<0.000000e+00> : vector<10x1xf32>
      %dot_general3A_1405 = tpu.matmul %mul3A_1403, %slice3A_1398, %dot_general3A_1404 {dimension_numbers = #tpu.dot_dimension_numbers<[1], [0], [0], [1], [0, 0, 1, 1], [], []>, transpose_lhs_hint = false} : vector<10x21xf32>, vector<21x1xf32>, vector<10x1xf32> -> vector<10x1xf32>
      %mul3A_1406 = vector.broadcast %cond3A : f32 to vector<10x1xf32>
      %mul3A_1407 = arith.mulf %dot_general3A_1405, %mul3A_1406 : vector<10x1xf32>
      %mul3A_1408 = arith.mulf %mul3A_1402, %mul3A_1402 : vector<10x1xf32>
      %sub3A_1409 = arith.subf %mul3A_1407, %mul3A_1408 : vector<10x1xf32>
      %add3A_1410 = arith.constant 1.000000e-03 : f32
      %add3A_1411 = vector.broadcast %add3A_1410 : f32 to vector<10x1xf32>
      %add3A_1412 = arith.addf %sub3A_1409, %add3A_1411 : vector<10x1xf32>
      %rsqrt3A_1413 = math.rsqrt %add3A_1412 : vector<10x1xf32>
      %mul3A_1414 = arith.mulf %transpose3A_1393, %rsqrt3A_1413 : vector<10x1xf32>
      %mul3A_1415 = vector.broadcast %mul3A_1414 : vector<10x1xf32> to vector<10x21xf32>
      %mul3A_1416 = arith.mulf %get3A_1386, %mul3A_1415 : vector<10x21xf32>
      %dot_general3A_1417 = arith.constant dense<0.000000e+00> : vector<21x128xf32>
      %dot_general3A_1418 = tpu.matmul %mul3A_1416, %get3A_1389, %dot_general3A_1417 {dimension_numbers = #tpu.dot_dimension_numbers<[0], [0], [1], [1], [0, 1, 1, 1], [], []>, transpose_lhs_hint = false} : vector<10x21xf32>, vector<10x128xf32>, vector<21x128xf32> -> vector<21x128xf32>
      %convert_element_type3A_1419 = arith.truncf %dot_general3A_1418 : vector<21x128xf32> to vector<21x128xbf16>
      %swap3A_1420 = arith.constant 64 : index
      %swap3A_1421 = arith.constant 0 : index
      %swap3A_1422 = vector.load %arg10[%swap3A_1420, %swap3A_1421] : memref<96x128xbf16, #tpu.memory_space<vmem>>, vector<21x128xbf16>
      tpu.vector_store %arg10[%swap3A_1420, %swap3A_1421], %convert_element_type3A_1419 {strides = array<i32>} : memref<96x128xbf16, #tpu.memory_space<vmem>>, vector<21x128xbf16>,
      %mul3A_1423 = arith.mulf %mul3A_1402, %mul3A_1414 : vector<10x1xf32>
      %sub3A_1424 = arith.subf %transpose3A_1397, %mul3A_1423 : vector<10x1xf32>
      %dot_general3A_1425 = arith.constant dense<0.000000e+00> : vector<1x128xf32>
      %dot_general3A_1426 = tpu.matmul %sub3A_1424, %get3A_1389, %dot_general3A_1425 {dimension_numbers = #tpu.dot_dimension_numbers<[0], [0], [1], [1], [0, 1, 1, 1], [], []>, transpose_lhs_hint = false} : vector<10x1xf32>, vector<10x128xf32>, vector<1x128xf32> -> vector<1x128xf32>
      %add3A_1427 = arith.addf %add3A_1383, %dot_general3A_1426 : vector<1x128xf32>
      %swap3A_1428 = arith.constant 0 : index
      %swap3A_1429 = arith.constant 0 : index
      %swap3A_1430 = vector.load %arg11[%swap3A_1428, %swap3A_1429] : memref<1x128xf32, #tpu.memory_space<vmem>>, vector<1x128xf32>
      tpu.vector_store %arg11[%swap3A_1428, %swap3A_1429], %add3A_1427 {strides = array<i32>} : memref<1x128xf32, #tpu.memory_space<vmem>>, vector<1x128xf32>,
    } else {
    }
    %mul3A = arith.constant 2048 : i32
    %mul3A_3 = arith.muli %arg0, %mul3A : i32
    %get3A = arith.index_cast %mul3A_3 : i32 to index
    %get3A_4 = arith.constant 0 : index
    %get3A_5 = vector.load %arg1[%get3A, %get3A_4] : memref<16384x128xf32, #tpu.memory_space<vmem>>, vector<2048x128xf32>
    %convert_element_type3A_6 = arith.truncf %get3A_5 : vector<2048x128xf32> to vector<2048x128xbf16>
    %get3A_7 = arith.constant 0 : index
    %get3A_8 = arith.constant 0 : index
    %get3A_9 = vector.load %arg12[%get3A_7, %get3A_8] : memref<128x128xbf16, #tpu.memory_space<vmem>>, vector<128x128xbf16>
    %dot_general3A = arith.constant dense<0.000000e+00> : vector<2048x128xf32>
    %dot_general3A_10 = tpu.matmul %convert_element_type3A_6, %get3A_9, %dot_general3A {dimension_numbers = #tpu.dot_dimension_numbers<[1], [0], [0], [1], [0, 0, 1, 1], [], []>, transpose_lhs_hint = false} : vector<2048x128xbf16>, vector<128x128xbf16>, vector<2048x128xf32> -> vector<2048x128xf32>
    %get3A_11 = arith.constant 0 : index
    %get3A_12 = arith.constant 0 : index
    %get3A_13 = vector.load %arg11[%get3A_11, %get3A_12] : memref<1x128xf32, #tpu.memory_space<vmem>>, vector<1x128xf32>
    %add3A = vector.broadcast %get3A_13 : vector<1x128xf32> to vector<2048x128xf32>
    %add3A_14 = arith.addf %dot_general3A_10, %add3A : vector<2048x128xf32>
    %mul3A_15 = arith.constant 16 : i32
    %mul3A_16 = arith.muli %arg0, %mul3A_15 : i32
    %get3A_17 = arith.index_cast %mul3A_16 : i32 to index
    %get3A_18 = arith.constant 0 : index
    %get3A_19 = vector.load %arg2[%get3A_17, %get3A_18] : memref<128x128xi32, #tpu.memory_space<vmem>>, vector<16x128xi32>
    %iota3A = tpu.iota {dimensions = array<i32: 0>} : vector<96x1x1xi32>
    %lt3A = arith.constant 32 : i32
    %lt3A_20 = vector.broadcast %lt3A : i32 to vector<96x1x1xi32>
    %lt3A_21 = arith.cmpi slt, %iota3A, %lt3A_20 : vector<96x1x1xi32>
    %lt3A_22 = arith.constant 64 : i32
    %lt3A_23 = vector.broadcast %lt3A_22 : i32 to vector<96x1x1xi32>
    %lt3A_24 = arith.cmpi slt, %iota3A, %lt3A_23 : vector<96x1x1xi32>
    %jit3A = arith.constant 5 : i32
    %jit3A_25 = arith.constant 10 : i32
    %broadcast_in_dim3A = vector.broadcast %jit3A : i32 to vector<96x1x1xi32>
    %broadcast_in_dim3A_26 = vector.broadcast %jit3A_25 : i32 to vector<96x1x1xi32>
    %select_n3A = arith.select %lt3A_24, %broadcast_in_dim3A, %broadcast_in_dim3A_26 : vector<96x1x1xi1>, vector<96x1x1xi32>
    %jit3A_27 = arith.constant 0 : i32
    %broadcast_in_dim3A_28 = vector.broadcast %jit3A_27 : i32 to vector<96x1x1xi32>
    %select_n3A_29 = arith.select %lt3A_21, %broadcast_in_dim3A_28, %select_n3A : vector<96x1x1xi1>, vector<96x1x1xi32>
    %jit3A_30 = arith.constant 32 : i32
    %eq3A_31 = arith.constant 0 : i32
    %eq3A_32 = arith.cmpi eq, %jit3A_30, %eq3A_31 : i32
    %jit3A_33 = arith.constant 1 : i32
    %select_n3A_34 = arith.select %eq3A_32, %jit3A_33, %jit3A_30 : i32
    %rem3A = vector.broadcast %select_n3A_34 : i32 to vector<96x1x1xi32>
    %rem3A_35 = arith.remsi %iota3A, %rem3A : vector<96x1x1xi32>
    %ne3A = arith.constant 0 : i32
    %ne3A_36 = vector.broadcast %ne3A : i32 to vector<96x1x1xi32>
    %ne3A_37 = arith.cmpi ne, %rem3A_35, %ne3A_36 : vector<96x1x1xi32>
    %lt3A_38 = arith.constant 0 : i32
    %lt3A_39 = vector.broadcast %lt3A_38 : i32 to vector<96x1x1xi32>
    %lt3A_40 = arith.cmpi slt, %rem3A_35, %lt3A_39 : vector<96x1x1xi32>
    %lt3A_41 = arith.constant 0 : i32
    %lt3A_42 = arith.cmpi slt, %select_n3A_34, %lt3A_41 : i32
    %ne3A_43 = vector.broadcast %lt3A_42 : i1 to vector<96x1x1xi1>
    %ne3A_44 = vector.broadcast %ne3A_43 : vector<96x1x1xi1> to vector<96x1x1xi1>
    %ne3A_45 = arith.xori %lt3A_40, %ne3A_44 : vector<96x1x1xi1>
    %and3A = arith.andi %ne3A_45, %ne3A_37 : vector<96x1x1xi1>
    %add3A_46 = vector.broadcast %select_n3A_34 : i32 to vector<96x1x1xi32>
    %add3A_47 = arith.addi %rem3A_35, %add3A_46 : vector<96x1x1xi32>
    %select_n3A_48 = arith.select %and3A, %add3A_47, %rem3A_35 : vector<96x1x1xi1>, vector<96x1x1xi32>
    %broadcast_in_dim3A_49 = vector.shape_cast %get3A_19 : vector<16x128xi32> to vector<1x16x128xi32>
    %shift_right_logical3A = vector.broadcast %broadcast_in_dim3A_49 : vector<1x16x128xi32> to vector<96x16x128xi32>
    %shift_right_logical3A_50 = vector.broadcast %select_n3A_29 : vector<96x1x1xi32> to vector<96x16x128xi32>
    %shift_right_logical3A_51 = arith.shrui %shift_right_logical3A, %shift_right_logical3A_50 : vector<96x16x128xi32>
    %and3A_52 = arith.constant 31 : i32
    %and3A_53 = vector.broadcast %and3A_52 : i32 to vector<96x16x128xi32>
    %and3A_54 = arith.andi %shift_right_logical3A_51, %and3A_53 : vector<96x16x128xi32>
    %eq3A_55 = vector.broadcast %select_n3A_48 : vector<96x1x1xi32> to vector<96x16x128xi32>
    %eq3A_56 = arith.cmpi eq, %and3A_54, %eq3A_55 : vector<96x16x128xi32>
    %jit3A_57 = arith.constant 1.000000e+00 : f32
    %jit3A_58 = arith.constant 0.000000e+00 : f32
    %broadcast_in_dim3A_59 = vector.broadcast %jit3A_57 : f32 to vector<96x16x128xf32>
    %broadcast_in_dim3A_60 = vector.broadcast %jit3A_58 : f32 to vector<96x16x128xf32>
    %select_n3A_61 = arith.select %eq3A_56, %broadcast_in_dim3A_59, %broadcast_in_dim3A_60 : vector<96x16x128xi1>, vector<96x16x128xf32>
    %convert_element_type3A_62 = arith.truncf %select_n3A_61 : vector<96x16x128xf32> to vector<96x16x128xbf16>
    %get3A_63 = arith.constant 0 : index
    %get3A_64 = arith.constant 0 : index
    %get3A_65 = vector.load %arg10[%get3A_63, %get3A_64] : memref<96x128xbf16, #tpu.memory_space<vmem>>, vector<96x128xbf16>
    %slice3A = vector.extract_strided_slice %add3A_14 {offsets = [0, 0], sizes = [128, 128], strides = [1, 1]} : vector<2048x128xf32> to vector<128x128xf32>
    %slice3A_66 = vector.extract_strided_slice %convert_element_type3A_62 {offsets = [0, 0, 0], sizes = [96, 1, 128], strides = [1, 1, 1]} : vector<96x16x128xbf16> to vector<96x1x128xbf16>
    %squeeze3A = vector.shape_cast %slice3A_66 : vector<96x1x128xbf16> to vector<96x128xbf16>
    %dot_general3A_67 = arith.constant dense<0.000000e+00> : vector<128x128xf32>
    %dot_general3A_68 = tpu.matmul %squeeze3A, %get3A_65, %dot_general3A_67 {dimension_numbers = #tpu.dot_dimension_numbers<[0], [0], [1], [1], [0, 1, 1, 1], [], []>, transpose_lhs_hint = false} : vector<96x128xbf16>, vector<96x128xbf16>, vector<128x128xf32> -> vector<128x128xf32>
    %add3A_69 = arith.addf %slice3A, %dot_general3A_68 : vector<128x128xf32>
    %swap3A = arith.constant 0 : index
    %swap3A_70 = arith.constant 0 : index
    %swap3A_71 = vector.load %arg9[%swap3A, %swap3A_70] : memref<2048x128xf32, #tpu.memory_space<vmem>>, vector<128x128xf32>
    tpu.vector_store %arg9[%swap3A, %swap3A_70], %add3A_69 {strides = array<i32>} : memref<2048x128xf32, #tpu.memory_space<vmem>>, vector<128x128xf32>,
    %slice3A_72 = vector.extract_strided_slice %add3A_14 {offsets = [128, 0], sizes = [128, 128], strides = [1, 1]} : vector<2048x128xf32> to vector<128x128xf32>
    %slice3A_73 = vector.extract_strided_slice %convert_element_type3A_62 {offsets = [0, 1, 0], sizes = [96, 1, 128], strides = [1, 1, 1]} : vector<96x16x128xbf16> to vector<96x1x128xbf16>
    %squeeze3A_74 = vector.shape_cast %slice3A_73 : vector<96x1x128xbf16> to vector<96x128xbf16>
    %dot_general3A_75 = arith.constant dense<0.000000e+00> : vector<128x128xf32>
    %dot_general3A_76 = tpu.matmul %squeeze3A_74, %get3A_65, %dot_general3A_75 {dimension_numbers = #tpu.dot_dimension_numbers<[0], [0], [1], [1], [0, 1, 1, 1], [], []>, transpose_lhs_hint = false} : vector<96x128xbf16>, vector<96x128xbf16>, vector<128x128xf32> -> vector<128x128xf32>
    %add3A_77 = arith.addf %slice3A_72, %dot_general3A_76 : vector<128x128xf32>
    %swap3A_78 = arith.constant 128 : index
    %swap3A_79 = arith.constant 0 : index
    %swap3A_80 = vector.load %arg9[%swap3A_78, %swap3A_79] : memref<2048x128xf32, #tpu.memory_space<vmem>>, vector<128x128xf32>
    tpu.vector_store %arg9[%swap3A_78, %swap3A_79], %add3A_77 {strides = array<i32>} : memref<2048x128xf32, #tpu.memory_space<vmem>>, vector<128x128xf32>,
    %slice3A_81 = vector.extract_strided_slice %add3A_14 {offsets = [256, 0], sizes = [128, 128], strides = [1, 1]} : vector<2048x128xf32> to vector<128x128xf32>
    %slice3A_82 = vector.extract_strided_slice %convert_element_type3A_62 {offsets = [0, 2, 0], sizes = [96, 1, 128], strides = [1, 1, 1]} : vector<96x16x128xbf16> to vector<96x1x128xbf16>
    %squeeze3A_83 = vector.shape_cast %slice3A_82 : vector<96x1x128xbf16> to vector<96x128xbf16>
    %dot_general3A_84 = arith.constant dense<0.000000e+00> : vector<128x128xf32>
    %dot_general3A_85 = tpu.matmul %squeeze3A_83, %get3A_65, %dot_general3A_84 {dimension_numbers = #tpu.dot_dimension_numbers<[0], [0], [1], [1], [0, 1, 1, 1], [], []>, transpose_lhs_hint = false} : vector<96x128xbf16>, vector<96x128xbf16>, vector<128x128xf32> -> vector<128x128xf32>
    %add3A_86 = arith.addf %slice3A_81, %dot_general3A_85 : vector<128x128xf32>
    %swap3A_87 = arith.constant 256 : index
    %swap3A_88 = arith.constant 0 : index
    %swap3A_89 = vector.load %arg9[%swap3A_87, %swap3A_88] : memref<2048x128xf32, #tpu.memory_space<vmem>>, vector<128x128xf32>
    tpu.vector_store %arg9[%swap3A_87, %swap3A_88], %add3A_86 {strides = array<i32>} : memref<2048x128xf32, #tpu.memory_space<vmem>>, vector<128x128xf32>,
    %slice3A_90 = vector.extract_strided_slice %add3A_14 {offsets = [384, 0], sizes = [128, 128], strides = [1, 1]} : vector<2048x128xf32> to vector<128x128xf32>
    %slice3A_91 = vector.extract_strided_slice %convert_element_type3A_62 {offsets = [0, 3, 0], sizes = [96, 1, 128], strides = [1, 1, 1]} : vector<96x16x128xbf16> to vector<96x1x128xbf16>
    %squeeze3A_92 = vector.shape_cast %slice3A_91 : vector<96x1x128xbf16> to vector<96x128xbf16>
    %dot_general3A_93 = arith.constant dense<0.000000e+00> : vector<128x128xf32>
    %dot_general3A_94 = tpu.matmul %squeeze3A_92, %get3A_65, %dot_general3A_93 {dimension_numbers = #tpu.dot_dimension_numbers<[0], [0], [1], [1], [0, 1, 1, 1], [], []>, transpose_lhs_hint = false} : vector<96x128xbf16>, vector<96x128xbf16>, vector<128x128xf32> -> vector<128x128xf32>
    %add3A_95 = arith.addf %slice3A_90, %dot_general3A_94 : vector<128x128xf32>
    %swap3A_96 = arith.constant 384 : index
    %swap3A_97 = arith.constant 0 : index
    %swap3A_98 = vector.load %arg9[%swap3A_96, %swap3A_97] : memref<2048x128xf32, #tpu.memory_space<vmem>>, vector<128x128xf32>
    tpu.vector_store %arg9[%swap3A_96, %swap3A_97], %add3A_95 {strides = array<i32>} : memref<2048x128xf32, #tpu.memory_space<vmem>>, vector<128x128xf32>,
    %slice3A_99 = vector.extract_strided_slice %add3A_14 {offsets = [512, 0], sizes = [128, 128], strides = [1, 1]} : vector<2048x128xf32> to vector<128x128xf32>
    %slice3A_100 = vector.extract_strided_slice %convert_element_type3A_62 {offsets = [0, 4, 0], sizes = [96, 1, 128], strides = [1, 1, 1]} : vector<96x16x128xbf16> to vector<96x1x128xbf16>
    %squeeze3A_101 = vector.shape_cast %slice3A_100 : vector<96x1x128xbf16> to vector<96x128xbf16>
    %dot_general3A_102 = arith.constant dense<0.000000e+00> : vector<128x128xf32>
    %dot_general3A_103 = tpu.matmul %squeeze3A_101, %get3A_65, %dot_general3A_102 {dimension_numbers = #tpu.dot_dimension_numbers<[0], [0], [1], [1], [0, 1, 1, 1], [], []>, transpose_lhs_hint = false} : vector<96x128xbf16>, vector<96x128xbf16>, vector<128x128xf32> -> vector<128x128xf32>
    %add3A_104 = arith.addf %slice3A_99, %dot_general3A_103 : vector<128x128xf32>
    %swap3A_105 = arith.constant 512 : index
    %swap3A_106 = arith.constant 0 : index
    %swap3A_107 = vector.load %arg9[%swap3A_105, %swap3A_106] : memref<2048x128xf32, #tpu.memory_space<vmem>>, vector<128x128xf32>
    tpu.vector_store %arg9[%swap3A_105, %swap3A_106], %add3A_104 {strides = array<i32>} : memref<2048x128xf32, #tpu.memory_space<vmem>>, vector<128x128xf32>,
    %slice3A_108 = vector.extract_strided_slice %add3A_14 {offsets = [640, 0], sizes = [128, 128], strides = [1, 1]} : vector<2048x128xf32> to vector<128x128xf32>
    %slice3A_109 = vector.extract_strided_slice %convert_element_type3A_62 {offsets = [0, 5, 0], sizes = [96, 1, 128], strides = [1, 1, 1]} : vector<96x16x128xbf16> to vector<96x1x128xbf16>
    %squeeze3A_110 = vector.shape_cast %slice3A_109 : vector<96x1x128xbf16> to vector<96x128xbf16>
    %dot_general3A_111 = arith.constant dense<0.000000e+00> : vector<128x128xf32>
    %dot_general3A_112 = tpu.matmul %squeeze3A_110, %get3A_65, %dot_general3A_111 {dimension_numbers = #tpu.dot_dimension_numbers<[0], [0], [1], [1], [0, 1, 1, 1], [], []>, transpose_lhs_hint = false} : vector<96x128xbf16>, vector<96x128xbf16>, vector<128x128xf32> -> vector<128x128xf32>
    %add3A_113 = arith.addf %slice3A_108, %dot_general3A_112 : vector<128x128xf32>
    %swap3A_114 = arith.constant 640 : index
    %swap3A_115 = arith.constant 0 : index
    %swap3A_116 = vector.load %arg9[%swap3A_114, %swap3A_115] : memref<2048x128xf32, #tpu.memory_space<vmem>>, vector<128x128xf32>
    tpu.vector_store %arg9[%swap3A_114, %swap3A_115], %add3A_113 {strides = array<i32>} : memref<2048x128xf32, #tpu.memory_space<vmem>>, vector<128x128xf32>,
    %slice3A_117 = vector.extract_strided_slice %add3A_14 {offsets = [768, 0], sizes = [128, 128], strides = [1, 1]} : vector<2048x128xf32> to vector<128x128xf32>
    %slice3A_118 = vector.extract_strided_slice %convert_element_type3A_62 {offsets = [0, 6, 0], sizes = [96, 1, 128], strides = [1, 1, 1]} : vector<96x16x128xbf16> to vector<96x1x128xbf16>
    %squeeze3A_119 = vector.shape_cast %slice3A_118 : vector<96x1x128xbf16> to vector<96x128xbf16>
    %dot_general3A_120 = arith.constant dense<0.000000e+00> : vector<128x128xf32>
    %dot_general3A_121 = tpu.matmul %squeeze3A_119, %get3A_65, %dot_general3A_120 {dimension_numbers = #tpu.dot_dimension_numbers<[0], [0], [1], [1], [0, 1, 1, 1], [], []>, transpose_lhs_hint = false} : vector<96x128xbf16>, vector<96x128xbf16>, vector<128x128xf32> -> vector<128x128xf32>
    %add3A_122 = arith.addf %slice3A_117, %dot_general3A_121 : vector<128x128xf32>
    %swap3A_123 = arith.constant 768 : index
    %swap3A_124 = arith.constant 0 : index
    %swap3A_125 = vector.load %arg9[%swap3A_123, %swap3A_124] : memref<2048x128xf32, #tpu.memory_space<vmem>>, vector<128x128xf32>
    tpu.vector_store %arg9[%swap3A_123, %swap3A_124], %add3A_122 {strides = array<i32>} : memref<2048x128xf32, #tpu.memory_space<vmem>>, vector<128x128xf32>,
    %slice3A_126 = vector.extract_strided_slice %add3A_14 {offsets = [896, 0], sizes = [128, 128], strides = [1, 1]} : vector<2048x128xf32> to vector<128x128xf32>
    %slice3A_127 = vector.extract_strided_slice %convert_element_type3A_62 {offsets = [0, 7, 0], sizes = [96, 1, 128], strides = [1, 1, 1]} : vector<96x16x128xbf16> to vector<96x1x128xbf16>
    %squeeze3A_128 = vector.shape_cast %slice3A_127 : vector<96x1x128xbf16> to vector<96x128xbf16>
    %dot_general3A_129 = arith.constant dense<0.000000e+00> : vector<128x128xf32>
    %dot_general3A_130 = tpu.matmul %squeeze3A_128, %get3A_65, %dot_general3A_129 {dimension_numbers = #tpu.dot_dimension_numbers<[0], [0], [1], [1], [0, 1, 1, 1], [], []>, transpose_lhs_hint = false} : vector<96x128xbf16>, vector<96x128xbf16>, vector<128x128xf32> -> vector<128x128xf32>
    %add3A_131 = arith.addf %slice3A_126, %dot_general3A_130 : vector<128x128xf32>
    %swap3A_132 = arith.constant 896 : index
    %swap3A_133 = arith.constant 0 : index
    %swap3A_134 = vector.load %arg9[%swap3A_132, %swap3A_133] : memref<2048x128xf32, #tpu.memory_space<vmem>>, vector<128x128xf32>
    tpu.vector_store %arg9[%swap3A_132, %swap3A_133], %add3A_131 {strides = array<i32>} : memref<2048x128xf32, #tpu.memory_space<vmem>>, vector<128x128xf32>,
    %slice3A_135 = vector.extract_strided_slice %add3A_14 {offsets = [1024, 0], sizes = [128, 128], strides = [1, 1]} : vector<2048x128xf32> to vector<128x128xf32>
    %slice3A_136 = vector.extract_strided_slice %convert_element_type3A_62 {offsets = [0, 8, 0], sizes = [96, 1, 128], strides = [1, 1, 1]} : vector<96x16x128xbf16> to vector<96x1x128xbf16>
    %squeeze3A_137 = vector.shape_cast %slice3A_136 : vector<96x1x128xbf16> to vector<96x128xbf16>
    %dot_general3A_138 = arith.constant dense<0.000000e+00> : vector<128x128xf32>
    %dot_general3A_139 = tpu.matmul %squeeze3A_137, %get3A_65, %dot_general3A_138 {dimension_numbers = #tpu.dot_dimension_numbers<[0], [0], [1], [1], [0, 1, 1, 1], [], []>, transpose_lhs_hint = false} : vector<96x128xbf16>, vector<96x128xbf16>, vector<128x128xf32> -> vector<128x128xf32>
    %add3A_140 = arith.addf %slice3A_135, %dot_general3A_139 : vector<128x128xf32>
    %swap3A_141 = arith.constant 1024 : index
    %swap3A_142 = arith.constant 0 : index
    %swap3A_143 = vector.load %arg9[%swap3A_141, %swap3A_142] : memref<2048x128xf32, #tpu.memory_space<vmem>>, vector<128x128xf32>
    tpu.vector_store %arg9[%swap3A_141, %swap3A_142], %add3A_140 {strides = array<i32>} : memref<2048x128xf32, #tpu.memory_space<vmem>>, vector<128x128xf32>,
    %slice3A_144 = vector.extract_strided_slice %add3A_14 {offsets = [1152, 0], sizes = [128, 128], strides = [1, 1]} : vector<2048x128xf32> to vector<128x128xf32>
    %slice3A_145 = vector.extract_strided_slice %convert_element_type3A_62 {offsets = [0, 9, 0], sizes = [96, 1, 128], strides = [1, 1, 1]} : vector<96x16x128xbf16> to vector<96x1x128xbf16>
    %squeeze3A_146 = vector.shape_cast %slice3A_145 : vector<96x1x128xbf16> to vector<96x128xbf16>
    %dot_general3A_147 = arith.constant dense<0.000000e+00> : vector<128x128xf32>
    %dot_general3A_148 = tpu.matmul %squeeze3A_146, %get3A_65, %dot_general3A_147 {dimension_numbers = #tpu.dot_dimension_numbers<[0], [0], [1], [1], [0, 1, 1, 1], [], []>, transpose_lhs_hint = false} : vector<96x128xbf16>, vector<96x128xbf16>, vector<128x128xf32> -> vector<128x128xf32>
    %add3A_149 = arith.addf %slice3A_144, %dot_general3A_148 : vector<128x128xf32>
    %swap3A_150 = arith.constant 1152 : index
    %swap3A_151 = arith.constant 0 : index
    %swap3A_152 = vector.load %arg9[%swap3A_150, %swap3A_151] : memref<2048x128xf32, #tpu.memory_space<vmem>>, vector<128x128xf32>
    tpu.vector_store %arg9[%swap3A_150, %swap3A_151], %add3A_149 {strides = array<i32>} : memref<2048x128xf32, #tpu.memory_space<vmem>>, vector<128x128xf32>,
    %slice3A_153 = vector.extract_strided_slice %add3A_14 {offsets = [1280, 0], sizes = [128, 128], strides = [1, 1]} : vector<2048x128xf32> to vector<128x128xf32>
    %slice3A_154 = vector.extract_strided_slice %convert_element_type3A_62 {offsets = [0, 10, 0], sizes = [96, 1, 128], strides = [1, 1, 1]} : vector<96x16x128xbf16> to vector<96x1x128xbf16>
    %squeeze3A_155 = vector.shape_cast %slice3A_154 : vector<96x1x128xbf16> to vector<96x128xbf16>
    %dot_general3A_156 = arith.constant dense<0.000000e+00> : vector<128x128xf32>
    %dot_general3A_157 = tpu.matmul %squeeze3A_155, %get3A_65, %dot_general3A_156 {dimension_numbers = #tpu.dot_dimension_numbers<[0], [0], [1], [1], [0, 1, 1, 1], [], []>, transpose_lhs_hint = false} : vector<96x128xbf16>, vector<96x128xbf16>, vector<128x128xf32> -> vector<128x128xf32>
    %add3A_158 = arith.addf %slice3A_153, %dot_general3A_157 : vector<128x128xf32>
    %swap3A_159 = arith.constant 1280 : index
    %swap3A_160 = arith.constant 0 : index
    %swap3A_161 = vector.load %arg9[%swap3A_159, %swap3A_160] : memref<2048x128xf32, #tpu.memory_space<vmem>>, vector<128x128xf32>
    tpu.vector_store %arg9[%swap3A_159, %swap3A_160], %add3A_158 {strides = array<i32>} : memref<2048x128xf32, #tpu.memory_space<vmem>>, vector<128x128xf32>,
    %slice3A_162 = vector.extract_strided_slice %add3A_14 {offsets = [1408, 0], sizes = [128, 128], strides = [1, 1]} : vector<2048x128xf32> to vector<128x128xf32>
    %slice3A_163 = vector.extract_strided_slice %convert_element_type3A_62 {offsets = [0, 11, 0], sizes = [96, 1, 128], strides = [1, 1, 1]} : vector<96x16x128xbf16> to vector<96x1x128xbf16>
    %squeeze3A_164 = vector.shape_cast %slice3A_163 : vector<96x1x128xbf16> to vector<96x128xbf16>
    %dot_general3A_165 = arith.constant dense<0.000000e+00> : vector<128x128xf32>
    %dot_general3A_166 = tpu.matmul %squeeze3A_164, %get3A_65, %dot_general3A_165 {dimension_numbers = #tpu.dot_dimension_numbers<[0], [0], [1], [1], [0, 1, 1, 1], [], []>, transpose_lhs_hint = false} : vector<96x128xbf16>, vector<96x128xbf16>, vector<128x128xf32> -> vector<128x128xf32>
    %add3A_167 = arith.addf %slice3A_162, %dot_general3A_166 : vector<128x128xf32>
    %swap3A_168 = arith.constant 1408 : index
    %swap3A_169 = arith.constant 0 : index
    %swap3A_170 = vector.load %arg9[%swap3A_168, %swap3A_169] : memref<2048x128xf32, #tpu.memory_space<vmem>>, vector<128x128xf32>
    tpu.vector_store %arg9[%swap3A_168, %swap3A_169], %add3A_167 {strides = array<i32>} : memref<2048x128xf32, #tpu.memory_space<vmem>>, vector<128x128xf32>,
    %slice3A_171 = vector.extract_strided_slice %add3A_14 {offsets = [1536, 0], sizes = [128, 128], strides = [1, 1]} : vector<2048x128xf32> to vector<128x128xf32>
    %slice3A_172 = vector.extract_strided_slice %convert_element_type3A_62 {offsets = [0, 12, 0], sizes = [96, 1, 128], strides = [1, 1, 1]} : vector<96x16x128xbf16> to vector<96x1x128xbf16>
    %squeeze3A_173 = vector.shape_cast %slice3A_172 : vector<96x1x128xbf16> to vector<96x128xbf16>
    %dot_general3A_174 = arith.constant dense<0.000000e+00> : vector<128x128xf32>
    %dot_general3A_175 = tpu.matmul %squeeze3A_173, %get3A_65, %dot_general3A_174 {dimension_numbers = #tpu.dot_dimension_numbers<[0], [0], [1], [1], [0, 1, 1, 1], [], []>, transpose_lhs_hint = false} : vector<96x128xbf16>, vector<96x128xbf16>, vector<128x128xf32> -> vector<128x128xf32>
    %add3A_176 = arith.addf %slice3A_171, %dot_general3A_175 : vector<128x128xf32>
    %swap3A_177 = arith.constant 1536 : index
    %swap3A_178 = arith.constant 0 : index
    %swap3A_179 = vector.load %arg9[%swap3A_177, %swap3A_178] : memref<2048x128xf32, #tpu.memory_space<vmem>>, vector<128x128xf32>
    tpu.vector_store %arg9[%swap3A_177, %swap3A_178], %add3A_176 {strides = array<i32>} : memref<2048x128xf32, #tpu.memory_space<vmem>>, vector<128x128xf32>,
    %slice3A_180 = vector.extract_strided_slice %add3A_14 {offsets = [1664, 0], sizes = [128, 128], strides = [1, 1]} : vector<2048x128xf32> to vector<128x128xf32>
    %slice3A_181 = vector.extract_strided_slice %convert_element_type3A_62 {offsets = [0, 13, 0], sizes = [96, 1, 128], strides = [1, 1, 1]} : vector<96x16x128xbf16> to vector<96x1x128xbf16>
    %squeeze3A_182 = vector.shape_cast %slice3A_181 : vector<96x1x128xbf16> to vector<96x128xbf16>
    %dot_general3A_183 = arith.constant dense<0.000000e+00> : vector<128x128xf32>
    %dot_general3A_184 = tpu.matmul %squeeze3A_182, %get3A_65, %dot_general3A_183 {dimension_numbers = #tpu.dot_dimension_numbers<[0], [0], [1], [1], [0, 1, 1, 1], [], []>, transpose_lhs_hint = false} : vector<96x128xbf16>, vector<96x128xbf16>, vector<128x128xf32> -> vector<128x128xf32>
    %add3A_185 = arith.addf %slice3A_180, %dot_general3A_184 : vector<128x128xf32>
    %swap3A_186 = arith.constant 1664 : index
    %swap3A_187 = arith.constant 0 : index
    %swap3A_188 = vector.load %arg9[%swap3A_186, %swap3A_187] : memref<2048x128xf32, #tpu.memory_space<vmem>>, vector<128x128xf32>
    tpu.vector_store %arg9[%swap3A_186, %swap3A_187], %add3A_185 {strides = array<i32>} : memref<2048x128xf32, #tpu.memory_space<vmem>>, vector<128x128xf32>,
    %slice3A_189 = vector.extract_strided_slice %add3A_14 {offsets = [1792, 0], sizes = [128, 128], strides = [1, 1]} : vector<2048x128xf32> to vector<128x128xf32>
    %slice3A_190 = vector.extract_strided_slice %convert_element_type3A_62 {offsets = [0, 14, 0], sizes = [96, 1, 128], strides = [1, 1, 1]} : vector<96x16x128xbf16> to vector<96x1x128xbf16>
    %squeeze3A_191 = vector.shape_cast %slice3A_190 : vector<96x1x128xbf16> to vector<96x128xbf16>
    %dot_general3A_192 = arith.constant dense<0.000000e+00> : vector<128x128xf32>
    %dot_general3A_193 = tpu.matmul %squeeze3A_191, %get3A_65, %dot_general3A_192 {dimension_numbers = #tpu.dot_dimension_numbers<[0], [0], [1], [1], [0, 1, 1, 1], [], []>, transpose_lhs_hint = false} : vector<96x128xbf16>, vector<96x128xbf16>, vector<128x128xf32> -> vector<128x128xf32>
    %add3A_194 = arith.addf %slice3A_189, %dot_general3A_193 : vector<128x128xf32>
    %swap3A_195 = arith.constant 1792 : index
    %swap3A_196 = arith.constant 0 : index
    %swap3A_197 = vector.load %arg9[%swap3A_195, %swap3A_196] : memref<2048x128xf32, #tpu.memory_space<vmem>>, vector<128x128xf32>
    tpu.vector_store %arg9[%swap3A_195, %swap3A_196], %add3A_194 {strides = array<i32>} : memref<2048x128xf32, #tpu.memory_space<vmem>>, vector<128x128xf32>,
    %slice3A_198 = vector.extract_strided_slice %add3A_14 {offsets = [1920, 0], sizes = [128, 128], strides = [1, 1]} : vector<2048x128xf32> to vector<128x128xf32>
    %slice3A_199 = vector.extract_strided_slice %convert_element_type3A_62 {offsets = [0, 15, 0], sizes = [96, 1, 128], strides = [1, 1, 1]} : vector<96x16x128xbf16> to vector<96x1x128xbf16>
    %squeeze3A_200 = vector.shape_cast %slice3A_199 : vector<96x1x128xbf16> to vector<96x128xbf16>
    %dot_general3A_201 = arith.constant dense<0.000000e+00> : vector<128x128xf32>
    %dot_general3A_202 = tpu.matmul %squeeze3A_200, %get3A_65, %dot_general3A_201 {dimension_numbers = #tpu.dot_dimension_numbers<[0], [0], [1], [1], [0, 1, 1, 1], [], []>, transpose_lhs_hint = false} : vector<96x128xbf16>, vector<96x128xbf16>, vector<128x128xf32> -> vector<128x128xf32>
    %add3A_203 = arith.addf %slice3A_198, %dot_general3A_202 : vector<128x128xf32>
    %swap3A_204 = arith.constant 1920 : index
    %swap3A_205 = arith.constant 0 : index
    %swap3A_206 = vector.load %arg9[%swap3A_204, %swap3A_205] : memref<2048x128xf32, #tpu.memory_space<vmem>>, vector<128x128xf32>
    tpu.vector_store %arg9[%swap3A_204, %swap3A_205], %add3A_203 {strides = array<i32>} : memref<2048x128xf32, #tpu.memory_space<vmem>>, vector<128x128xf32>,
    return
  }
  func.func @transform_0(%arg0: i32) -> (i32, i32) {
    %c0_i32 = arith.constant 0 : i32
    %c0_i32_0 = arith.constant 0 : i32
    %c0_i32_1 = arith.constant 0 : i32
    return %c0_i32, %c0_i32_0 : i32, i32
  }
  func.func @transform_1(%arg0: i32) -> (i32, i32) {
    %c0_i32 = arith.constant 0 : i32
    %c0_i32_0 = arith.constant 0 : i32
    %c0_i32_1 = arith.constant 0 : i32
    return %c0_i32, %c0_i32_0 : i32, i32
  }
  func.func @transform_2(%arg0: i32) -> (i32, i32) {
    %c0_i32 = arith.constant 0 : i32
    %c0_i32_0 = arith.constant 0 : i32
    %c0_i32_1 = arith.constant 0 : i32
    return %c0_i32, %c0_i32_0 : i32, i32
  }
  func.func @transform_3(%arg0: i32) -> (i32, i32) {
    %c0_i32 = arith.constant 0 : i32
    %c0_i32_0 = arith.constant 0 : i32
    %c0_i32_1 = arith.constant 0 : i32
    return %c0_i32, %c0_i32_0 : i32, i32
  }
  func.func @transform_4(%arg0: i32) -> (i32, i32) {
    %c0_i32 = arith.constant 0 : i32
    %c0_i32_0 = arith.constant 0 : i32
    %c0_i32_1 = arith.constant 0 : i32
    return %c0_i32, %c0_i32_0 : i32, i32
  }
  func.func @transform_5(%arg0: i32) -> (i32, i32) {
    %c0_i32 = arith.constant 0 : i32
    %c0_i32_0 = arith.constant 0 : i32
    %c0_i32_1 = arith.constant 0 : i32
    return %c0_i32, %c0_i32_0 : i32, i32
  }
  func.func @transform_6(%arg0: i32) -> i32 {
    %c0_i32 = arith.constant 0 : i32
    %c0_i32_0 = arith.constant 0 : i32
    return %c0_i32 : i32
  }
  func.func @transform_7(%arg0: i32) -> i32 {
    %c0_i32 = arith.constant 0 : i32
    %c0_i32_0 = arith.constant 0 : i32
    return %c0_i32 : i32
  }
  func.func @transform_8(%arg0: i32) -> (i32, i32) {
    %c0_i32 = arith.constant 0 : i32
    %c0_i32_0 = arith.constant 0 : i32
    return %arg0, %c0_i32 : i32, i32
  }
}

</mosaic_0001>

<sc_bundles>
// kernel: kernel.5.cloned.1.call-start
scs
__scs_entry_jumppad:
0x0: {  	(pc) =	sbr.rel $0x88, $3  }
0x1: {  	(tag) =	ssettag $0x0;
	lr =	simm.s32 $0x1  }
0x2: {  	[smem:$0x3F96] =	sst lr;
	_ =	strace $0xD0000000  }
0x3: {  	_ = 	snop  }
0x4: {  	_ = 	snop  }
0x5: {  	_ = 	snop  }
0x6: {  	_ = 	snop  }
0x7: {  	_ = 	snop  }
__scs_overlays_trampoline_lowered:
0x8: {  	[smem:$0x3FA5] =	sst s0  }
0x9: {  	[smem:$0x3FA6] =	sst s1  }
0xa: {  	[smem:$0x3FA7] =	sst s2  }
0xb: {  	[smem:$0x3FA8] =	sst s3  }
0xc: {  	[smem:$0x3FA9] =	sst s4  }
0xd: {  	[smem:$0x3FAA] =	sst s5  }
0xe: {  	[smem:$0x3FAB] =	sst s6  }
0xf: {  	[smem:$0x3FAC] =	sst s7  }
0x10: {  	[smem:$0x3FAD] =	sst s8  }
0x11: {  	[smem:$0x3FAE] =	sst s9;
	s0 =	simm.s32 @!p0 $0x0  }
0x12: {  	s1 =	sld [smem:$0x3F94];
	s0 =	simm.s32 @p0 $0x1  }
0x13: {  	[smem:$0x3FAF] =	sst s0;
	s0 =	simm.s32 @!p1 $0x0  }
0x14: {  	s2 =	sld [smem:$0x3F93];
	s0 =	simm.s32 @p1 $0x1  }
0x15: {  	[smem:$0x3FB0] =	sst s0;
	s0 =	simm.s32 @!p2 $0x0  }
0x16: {  	s3 =	sld [smem:$0x3FDB];
	s0 =	simm.s32 @p2 $0x1  }
0x17: {  	s4 =	simm.s32 $0x1BF5;
	[smem:$0x3FB2] =	sst s0  }
0x18: {  	s0 =	sld [smem:$0x3F95];
	_ =	swait.ge [sflag:s4], $0x0  }
0x19: {  	s7 =	sld [smem:$0x3F96]  }
0x1a: {  	s8 =	sadd.s32 $0xFFFFE003, lr  }
0x1b: {  	s9 =	sadd.s32 $0xFFFFFEF7, lr;
	s5 =	simm.s32 $0xFFFFFFFF;
	p2 =	slt.u32 s8, $0xFFFFF086  }
0x1c: {  	p1 =	slt.u32 s9, $0xF7A;
	s5 =	simm.s32 @!p2 $0x0  }
0x1d: {  	s5 =	simm.s32 @p1 $0x1;
	p0 =	seq.s32 s7, s2  }
0x1e: {  	s7 =	smul.u32 @!p0 $0xF7A, s2;
	p2 =	seq.s32 @!p0 s5, $0x0  }
0x1f: {  	s9 =	smul.u32 $0xF7A, s1;
	s8 =	simm.s32 @!p0 $0x1BF5;
	p2 =	por !p2, p0  }
0x20: {  	[sflag:s8] =	ssyncset.s32 @!p0 $0xFFFFF086;
	s6 =	sadd.s32 @!p0 s3, s7;
	s7 =	simm.s32 @!p0 $0x108  }
0x21: {  	s3 =	sadd.s32 s3, s9;
	s6 =	sadd.s32 @!p0 $0x88, s6;
	s7 =	simm.s32 @p2 $0x1082  }
0x22: {  	[simem:s7], [sflag:s8] =	dma.local @!p0 [hbm:s6], $0xF7A  }
0x23: {  	s9 =	sor.u32 $0xD0000000, s2;
	s6 =	simm.s32 $0x108;
	_ =	swait.ge @!p0 [sflag:s8], $0x0  }
0x24: {  	s3 =	sadd.s32 $0x88, s3;
	s6 =	simm.s32 @!p1 $0x1082;
	[sflag:s4] =	ssyncset.s32 $0xFFFFF086  }
0x25: {  	[simem:s6], [sflag:s4] =	dma.local [hbm:s3], $0xF7A  }
0x26: {  	[smem:$0x3F96] =	sst s1;
	(tag) =	ssettag s2;
	_ =	strace s9  }
0x27: {  	s1 =	sld [smem:$0x3FA6]  }
0x28: {  	s2 =	sld [smem:$0x3FA7]  }
0x29: {  	s4 =	sld [smem:$0x3FA9]  }
0x2a: {  	p0 =	seq.s32 s5, $0x0;
	s5 =	sld [smem:$0x3FAA]  }
0x2b: {  	s6 =	sld [smem:$0x3FAB]  }
0x2c: {  	s7 =	sld [smem:$0x3FAC]  }
0x2d: {  	s3 =	simm.s32 $0x108;
	s8 =	sld [smem:$0x3FAD]  }
0x2e: {  	s3 =	simm.s32 @!p0 $0x1082;
	s9 =	sld [smem:$0x3FAE]  }
0x2f: {  	lr =	sadd.s32 s0, s3;
	s0 =	sld [smem:$0x3FA5]  }
0x30: {  	s3 =	sld [smem:$0x3FA8]  }
0x31: {  	[smem:$0x3FB1] =	sst s10  }
0x32: {  	s10 =	sld [smem:$0x3FAF];
	_ =	sdelay $0x3  }
0x33: {  	p0 =	seq.s32 s10, $0x1;
	s10 =	sld [smem:$0x3FB1];
	_ =	sdelay $0x3  }
0x34: {  	[smem:$0x3FB1] =	sst s10  }
0x35: {  	s10 =	sld [smem:$0x3FB0];
	_ =	sdelay $0x3  }
0x36: {  	p1 =	seq.s32 s10, $0x1;
	s10 =	sld [smem:$0x3FB1];
	_ =	sdelay $0x3  }
0x37: {  	[smem:$0x3FB1] =	sst s10  }
0x38: {  	s10 =	sld [smem:$0x3FB2]  }
0x39: {  	_ = 	snop;
	(pc) =	sbr.ind lr, $3  }
0x3a: {  	_ = 	snop  }
0x3b: {  	_ = 	snop  }
0x3c: {  	p2 =	seq.s32 s10, $0x1;
	s10 =	sld [smem:$0x3FB1]  }
0x3d: {  	_ =	shalt  }
0x3e: {  	_ =	shalt  }
0x3f: {  	_ =	shalt  }
0x40: {  	_ =	shalt  }
0x41: {  	_ =	shalt  }
0x42: {  	_ =	shalt  }
0x43: {  	_ =	shalt  }
0x44: {  	_ =	shalt  }
0x45: {  	_ =	shalt  }
0x46: {  	_ =	shalt  }
0x47: {  	_ =	shalt  }
0x48: {  	_ =	shalt  }
0x49: {  	_ =	shalt  }
0x4a: {  	_ =	shalt  }
0x4b: {  	_ =	shalt  }
0x4c: {  	_ =	shalt  }
0x4d: {  	_ =	shalt  }
0x4e: {  	_ =	shalt  }
0x4f: {  	_ =	shalt  }
0x50: {  	_ =	shalt  }
0x51: {  	_ =	shalt  }
0x52: {  	_ =	shalt  }
0x53: {  	_ =	shalt  }
0x54: {  	_ =	shalt  }
0x55: {  	_ =	shalt  }
0x56: {  	_ =	shalt  }
0x57: {  	_ =	shalt  }
0x58: {  	_ =	shalt  }
0x59: {  	_ =	shalt  }
0x5a: {  	_ =	shalt  }
0x5b: {  	_ =	shalt  }
0x5c: {  	_ =	shalt  }
0x5d: {  	_ =	shalt  }
0x5e: {  	_ =	shalt  }
0x5f: {  	_ =	shalt  }
0x60: {  	_ =	shalt  }
0x61: {  	_ =	shalt  }
0x62: {  	_ =	shalt  }
0x63: {  	_ =	shalt  }
0x64: {  	_ =	shalt  }
0x65: {  	_ =	shalt  }
0x66: {  	_ =	shalt  }
0x67: {  	_ =	shalt  }
0x68: {  	_ =	shalt  }
0x69: {  	_ =	shalt  }
0x6a: {  	_ =	shalt  }
0x6b: {  	_ =	shalt  }
0x6c: {  	_ =	shalt  }
0x6d: {  	_ =	shalt  }
0x6e: {  	_ =	shalt  }
0x6f: {  	_ =	shalt  }
0x70: {  	_ =	shalt  }
0x71: {  	_ =	shalt  }
0x72: {  	_ =	shalt  }
0x73: {  	_ =	shalt  }
0x74: {  	_ =	shalt  }
0x75: {  	_ =	shalt  }
0x76: {  	_ =	shalt  }
0x77: {  	_ =	shalt  }
0x78: {  	_ =	shalt  }
0x79: {  	_ =	shalt  }
0x7a: {  	_ =	shalt  }
0x7b: {  	_ =	shalt  }
0x7c: {  	_ =	shalt  }
0x7d: {  	_ =	shalt  }
0x7e: {  	_ =	shalt  }
0x7f: {  	_ =	shalt  }
0x80: {  	_ =	shalt  }
0x81: {  	_ =	shalt  }
0x82: {  	_ =	shalt  }
0x83: {  	_ =	shalt  }
0x84: {  	_ =	shalt  }
0x85: {  	_ =	shalt  }
0x86: {  	_ =	shalt  }
0x87: {  	_ =	shalt  }
.Lfunc_end0:
.L_simem_size_0:
called_computation_lowered:
.L_overlay_start_0:
0x88: {  	s2 =	sld [smem:$0x3FD9]  }
0x89: {  	s3 =	sld [smem:$0x3FFE];
	_ =	sdelay $0x1  }
0x8a: {  	s1 =	srdreg.scid  }
0x8b: {  	s0 =	sand.u32 $0x1, s1  }
0x8c: {  	s17 =	sshll.u32 s0, $0xA;
	s2 =	sadd.s32 s3, s2  }
0x8d: {  	s2 =	sadd.s32 s2, s17  }
0x8e: {  	[smem:$0x3FBD] =	sst s2  }
0x8f: {  	_ = 	snop  }
0x90: {  	s2 =	sld [smem:$0x3FC9]  }
0x91: {  	s18 =	sld [smem:$0x3FD0];
	(tm) =	ssettm $0x1  }
0x92: {  	s4 =	sld [smem:$0x3FFB];
	_ =	sdelay $0x3  }
0x93: {  	_ =	strace s4  }
0x94: {  	s4 =	sld [smem:$0x3FFC];
	_ =	sdelay $0x3  }
0x95: {  	_ =	strace s4  }
0x96: {  	s4 =	sld [smem:$0x3FFD];
	_ =	sdelay $0x3  }
0x97: {  	_ =	strace s4  }
0x98: {  	_ =	strace $0x8FFFFFFF  }
0x99: {  	s19 =	sld [smem:$0x3FDB];
	_ =	sdelay $0x1  }
0x9a: {  	s5 =	simm.s32 $_scs_section_size  }
0x9b: {  	s6 =	simm.s32 $_size__tile_overlayer_lowered;
	s7 =	simm.s32 $_tile_overlayer_lowered  }
0x9c: {  	s22 =	simm.s32 $0x1BFF;
	s21 =	sshll.u32 s7, $0x1;
	s4 =	sadd.s32 s5, s19  }
0x9d: {  	s8 =	simm.s32 $0x0;
	s20 =	sshll.u32 s6, $0x1;
	s6 =	sadd.s32 s21, s4  }
0x9e: {  	[timem:s8], [sflag:s22] =	dma.local [hbm:s6], s20  }
0x9f: {  	_ =	swait.ge [sflag:s22], s20  }
0xa0: {  	s5 =	ssub.s32 $0x0, s20;
	[sflag:s22] =	ssyncset.done $0x0  }
0xa1: {  	[sflag:s22] =	ssyncadd.s32 s5;
	_ =	sdelay $0x1  }
0xa2: {  	s23 =	simm.s32 $0x1B8B  }
0xa3: {  	_ =	swait.ge [sflag:s23], $0x1  }
0xa4: {  	[sflag:s23] =	ssyncset.done $0x0  }
0xa5: {  	s25 =	simm.s32 $0x1B8E;
	s24 =	sld [smem:$0x3FFE];
	[sflag:s23] =	ssyncadd.s32 $0xFFFFFFFF  }
0xa6: {  	s26 =	simm.s32 $execute0_lowered;
	[smem:$0x3FD2] =	sst s25  }
0xa7: {  	s6 =	sshll.u32 s26, $0x1;
	_ =	strace $0x80000046;
	[dreg:$0x1] =	wrdreg $0xFFFFFFFF  }
0xa8: {  	s28 =	simm.s32 $_size_execute0_lowered;
	s4 =	sadd.s32 s4, s6;
	[dreg:$0x0] =	wrdreg $0x0  }
0xa9: {  	s6 =	sshll.u32 s28, $0x1;
	[dreg:$0x2] =	wrdreg s4  }
0xaa: {  	[dreg:$0x3] =	wrdreg s6  }
0xab: {  	[dreg:$0x4] =	wrdreg $0xC0  }
0xac: {  	_ =	task [dreg:s8], $0x5FFFF  }
0xad: {  	[dreg:$0x1] =	wrdreg $0xFFFFFFFF  }
0xae: {  	[dreg:$0x0] =	wrdreg $0x60  }
0xaf: {  	[dreg:$0x2] =	wrdreg s24  }
0xb0: {  	[dreg:$0x3] =	wrdreg s2  }
0xb1: {  	[dreg:$0x4] =	wrdreg s18  }
0xb2: {  	[dreg:$0x5] =	wrdreg $0x9  }
0xb3: {  	_ =	task.clear_ibuf [dreg:s8], $0x6FFFF;
	_ =	strace $0x90000046  }
0xb4: {  	s29 =	simm.s32 $0x9;
	_ =	strace $0x80000048  }
0xb5: {  	_ =	swait.ge [sflag:s29], $0x1  }
0xb6: {  	[sflag:s29] =	ssyncadd.s32 $0xFFFFFFFF  }
0xb7: {  	_ =	strace $0x90000048  }
0xb8: {  	_ =	sfence  }
0xb9: {  	s30 =	sld [smem:$0x0];
	_ =	sdelay $0x2  }
0xba: {  	s31 =	sshll.u32 s1, $0xD;
	s1 =	sshrl.u32 s1, $0x2  }
0xbb: {  	s3 =	sand.u32 $0x4000, s31;
	s1 =	sadd.s32 s1, s30  }
0xbc: {  	s0 =	sor.u32 s3, s0;
	s1 =	sshll.u32 s1, $0x11  }
0xbd: {  	s0 =	sor.u32 s1, s0  }
0xbe: {  	s0 =	sadd.s32 $0x8F2B, s0  }
0xbf: {  	[sflag:s0] =	ssyncadd.remote.s32 $0x1  }
0xc0: {  	_ =	sfence.sel $0xFFFF  }
0xc1: {  	[dreg:$0x0] =	wrdreg $0xFFFFFFFF;
	(pc) =	sbr.abs _section_cstart, $3  }
0xc2: {  	[dreg:$0x1] =	wrdreg $0xFFFFFFFF  }
0xc3: {  	_ =	task.clear_ibuf [dreg:s8], $0x2FFFF;
	_ =	strace $0x9FFFFFFF  }
0xc4: {  	(tm) =	ssettm $0x7FFFFFFF  }
0xc5: {  	_ =	shalt  }
tec
execute0_lowered:
.L_overlay_start_1:
0x0: {  	(tag) =	ssettag $0x1  }
0x1: {  	s19 =	rddreg [dreg:$0x0]  }
0x2: {  	s3 =	rddreg [dreg:$0x1]  }
0x3: {  	s1 =	srdreg.scid;
	s0 =	stileid.u32  }
0x4: {  	s20 =	rddreg [dreg:$0x2];
	s21 =	sand.u32 $0x1, s1;
	s4 =	sshll.u32 s0, $0x1  }
0x5: {  	s2 =	simm.s32 $0x0;
	s1 =	rddreg [dreg:$0x3];
	s22 =	sor.u32 s21, s4  }
0x6: {  	[smem:$0x7FF] =	sst s2;
	s4 =	sshll.u32 s22, $0x6  }
0x7: {  	_ =	strace $0x80000047;
	s4 =	sadd.s32 s3, s4;
	s3 =	simm.s32 $0x2  }
0x8: {  	[tilespmem:s2], [sflag:$0x2] =	stream.linear.gather [hbm4b:s4+s2], $0x200, $0x38;
	[tilespmem:$0x10400] =	vst v63  }
0x9: {  	_ =	swait.ge [sflag:s3], $0x200  }
0xa: {  	s6 =	simm.s32 $0x80;
	[sflag:s3] =	ssyncset.done $0x0  }
0xb: {  	s7 =	simm.s32 $0x200;
	s5 =	sadd.s32 $0x2200, s19;
	[sflag:s3] =	ssyncadd.s32 $0xFFFFFE00  }
0xc: {  	[tilespmem:s7], [sflag:$0x1] =	stream.indirect.gather [hbm4b:s5+s6], $0x80, s2, s6, $0xb8;
	[tilespmem:$0x10400] =	vst v63  }
0xd: {  	s9 =	simm.s32 $0x10200;
	s8 =	sadd.s32 $0x188C00, s19  }
0xe: {  	[tilespmem:s9], [sflag:$0x1] =	stream.indirect.gather [hbm4b:s8+s6], $0x1, s2, s6, $0xb8;
	[tilespmem:$0x10400] =	vst v63  }
0xf: {  	s10 =	simm.s32 $0x4200  }
0x10: {  	[tilespmem:s10], [sflag:$0x1] =	stream.indirect.gather [hbm4b:s5+s6], $0x80, s6, s6, $0xb8;
	[tilespmem:$0x10400] =	vst v63  }
0x11: {  	s11 =	simm.s32 $0x10280  }
0x12: {  	[tilespmem:s11], [sflag:$0x1] =	stream.indirect.gather [hbm4b:s8+s6], $0x1, s6, s6, $0xb8;
	[tilespmem:$0x10400] =	vst v63  }
0x13: {  	s12 =	simm.s32 $0x100;
	s13 =	simm.s32 $0x8200  }
0x14: {  	[tilespmem:s13], [sflag:$0x1] =	stream.indirect.gather [hbm4b:s5+s6], $0x80, s12, s6, $0xb8;
	[tilespmem:$0x10400] =	vst v63  }
0x15: {  	s14 =	simm.s32 $0x10300  }
0x16: {  	[tilespmem:s14], [sflag:$0x1] =	stream.indirect.gather [hbm4b:s8+s6], $0x1, s12, s6, $0xb8;
	[tilespmem:$0x10400] =	vst v63  }
0x17: {  	s15 =	simm.s32 $0x180;
	s16 =	simm.s32 $0xC200  }
0x18: {  	[tilespmem:s16], [sflag:$0x1] =	stream.indirect.gather [hbm4b:s5+s6], $0x80, s15, s6, $0xb8;
	[tilespmem:$0x10400] =	vst v63  }
0x19: {  	s17 =	simm.s32 $0x10380;
	s18 =	simm.s32 $0x1  }
0x1a: {  	[tilespmem:s17], [sflag:$0x1] =	stream.indirect.gather [hbm4b:s8+s6], $0x1, s15, s6, $0xb8;
	[tilespmem:$0x10400] =	vst v63  }
0x1b: {  	_ =	swait.ge [sflag:s18], $0x4000  }
0x1c: {  	[sflag:s18] =	ssyncset.done $0x0  }
0x1d: {  	[sflag:s18] =	ssyncadd.s32 $0xFFFFC000  }
0x1e: {  	_ =	swait.ge [sflag:s18], $0x80  }
0x1f: {  	[sflag:s18] =	ssyncset.done $0x0  }
0x20: {  	[sflag:s18] =	ssyncadd.s32 $0xFFFFFF80  }
0x21: {  	_ =	swait.ge [sflag:s18], $0x4000  }
0x22: {  	[sflag:s18] =	ssyncset.done $0x0  }
0x23: {  	[sflag:s18] =	ssyncadd.s32 $0xFFFFC000  }
0x24: {  	_ =	swait.ge [sflag:s18], $0x80  }
0x25: {  	[sflag:s18] =	ssyncset.done $0x0  }
0x26: {  	[sflag:s18] =	ssyncadd.s32 $0xFFFFFF80  }
0x27: {  	_ =	swait.ge [sflag:s18], $0x4000  }
0x28: {  	[sflag:s18] =	ssyncset.done $0x0  }
0x29: {  	[sflag:s18] =	ssyncadd.s32 $0xFFFFC000  }
0x2a: {  	_ =	swait.ge [sflag:s18], $0x80  }
0x2b: {  	[sflag:s18] =	ssyncset.done $0x0  }
0x2c: {  	[sflag:s18] =	ssyncadd.s32 $0xFFFFFF80  }
0x2d: {  	_ =	swait.ge [sflag:s18], $0x4000  }
0x2e: {  	[sflag:s18] =	ssyncset.done $0x0  }
0x2f: {  	s23 =	sshll.u32 s21, $0x6;
	s21 =	ssub.s32 $0x2, s21;
	[sflag:s18] =	ssyncadd.s32 $0xFFFFC000  }
0x30: {  	s23 =	sadd.s32 s23, s19;
	s29 =	sshrl.u32 s21, $0x1;
	_ =	swait.ge [sflag:s18], $0x80  }
0x31: {  	s28 =	sshll.u32 s22, $0xD;
	s21 =	ssub.s32 s21, s29;
	[sflag:s18] =	ssyncset.done $0x0  }
0x32: {  	s19 =	sadd.s32 s20, s28;
	s21 =	smax.u32 s21, $0x1;
	[sflag:s18] =	ssyncadd.s32 $0xFFFFFF80  }
0x33: {  	[hbm4b:s19+s2] =	stream.linear.scatter [tilespmem:s7], [sflag:$0x2], $0x10000, $0x38;
	[tilespmem:$0x10400] =	vst v63  }
0x34: {  	s30 =	sshll.u32 s0, $0x7;
	p0 =	sne.s32 s21, $0x1;
	_ =	swait.ge [sflag:s3], $0x10000  }
.Ltmp0:
0x35: {  	s31 =	sadd.s32 s30, s23;
	[sflag:s3] =	ssyncset.done $0x0;
	(pc) =	sbr.rel @!p0 .LBB2_2-.Ltmp0, $4  }
0x36: {  	s20 =	sadd.s32 $0x18BE00, s31;
	[sflag:s3] =	ssyncadd.s32 $0xFFFF0000  }
0x37: {  	[hbm4b:s20+s2] =	stream.linear.scatter [tilespmem:s9], [sflag:$0x2], $0x200, $0x38;
	[tilespmem:$0x10400] =	vst v63  }
0x38: {  	_ =	swait.ge [sflag:s3], $0x200  }
0x39: {  	s21 =	sadd.s32 $0xFFFFFFFF, s21;
	[sflag:s3] =	ssyncset.done $0x0  }
.LBB2_1:
0x3a: {  	p0 =	sne.s32 s21, $0x1;
	s21 =	sadd.s32 $0xFFFFFFFF, s21;
	[sflag:s3] =	ssyncadd.s32 $0xFFFFFE00  }
0x3b: {  	[tilespmem:s2], [sflag:$0x2] =	stream.linear.gather [hbm4b:s4+s2], $0x200, $0x38;
	[tilespmem:$0x10400] =	vst v63  }
0x3c: {  	_ =	swait.ge [sflag:s3], $0x200  }
0x3d: {  	[sflag:s3] =	ssyncset.done $0x0  }
0x3e: {  	[sflag:s3] =	ssyncadd.s32 $0xFFFFFE00  }
0x3f: {  	[tilespmem:s7], [sflag:$0x1] =	stream.indirect.gather [hbm4b:s5+s6], $0x80, s2, s6, $0xb8;
	[tilespmem:$0x10400] =	vst v63  }
0x40: {  	_ = 	snop  }
0x41: {  	[tilespmem:s9], [sflag:$0x1] =	stream.indirect.gather [hbm4b:s8+s6], $0x1, s2, s6, $0xb8;
	[tilespmem:$0x10400] =	vst v63  }
0x42: {  	_ = 	snop  }
0x43: {  	[tilespmem:s10], [sflag:$0x1] =	stream.indirect.gather [hbm4b:s5+s6], $0x80, s6, s6, $0xb8;
	[tilespmem:$0x10400] =	vst v63  }
0x44: {  	_ = 	snop  }
0x45: {  	[tilespmem:s11], [sflag:$0x1] =	stream.indirect.gather [hbm4b:s8+s6], $0x1, s6, s6, $0xb8;
	[tilespmem:$0x10400] =	vst v63  }
0x46: {  	_ = 	snop  }
0x47: {  	[tilespmem:s13], [sflag:$0x1] =	stream.indirect.gather [hbm4b:s5+s6], $0x80, s12, s6, $0xb8;
	[tilespmem:$0x10400] =	vst v63  }
0x48: {  	_ = 	snop  }
0x49: {  	[tilespmem:s14], [sflag:$0x1] =	stream.indirect.gather [hbm4b:s8+s6], $0x1, s12, s6, $0xb8;
	[tilespmem:$0x10400] =	vst v63  }
0x4a: {  	_ = 	snop  }
0x4b: {  	[tilespmem:s16], [sflag:$0x1] =	stream.indirect.gather [hbm4b:s5+s6], $0x80, s15, s6, $0xb8;
	[tilespmem:$0x10400] =	vst v63  }
0x4c: {  	_ = 	snop  }
0x4d: {  	[tilespmem:s17], [sflag:$0x1] =	stream.indirect.gather [hbm4b:s8+s6], $0x1, s15, s6, $0xb8;
	[tilespmem:$0x10400] =	vst v63  }
0x4e: {  	_ =	swait.ge [sflag:s18], $0x4000  }
0x4f: {  	[sflag:s18] =	ssyncset.done $0x0  }
0x50: {  	[sflag:s18] =	ssyncadd.s32 $0xFFFFC000  }
0x51: {  	_ =	swait.ge [sflag:s18], $0x80  }
0x52: {  	[sflag:s18] =	ssyncset.done $0x0  }
0x53: {  	[sflag:s18] =	ssyncadd.s32 $0xFFFFFF80  }
0x54: {  	_ =	swait.ge [sflag:s18], $0x4000  }
0x55: {  	[sflag:s18] =	ssyncset.done $0x0  }
0x56: {  	[sflag:s18] =	ssyncadd.s32 $0xFFFFC000  }
0x57: {  	_ =	swait.ge [sflag:s18], $0x80  }
0x58: {  	[sflag:s18] =	ssyncset.done $0x0  }
0x59: {  	[sflag:s18] =	ssyncadd.s32 $0xFFFFFF80  }
0x5a: {  	_ =	swait.ge [sflag:s18], $0x4000  }
0x5b: {  	[sflag:s18] =	ssyncset.done $0x0  }
0x5c: {  	[sflag:s18] =	ssyncadd.s32 $0xFFFFC000  }
0x5d: {  	_ =	swait.ge [sflag:s18], $0x80  }
0x5e: {  	[sflag:s18] =	ssyncset.done $0x0  }
0x5f: {  	[sflag:s18] =	ssyncadd.s32 $0xFFFFFF80  }
0x60: {  	_ =	swait.ge [sflag:s18], $0x4000  }
0x61: {  	[sflag:s18] =	ssyncset.done $0x0  }
0x62: {  	[sflag:s18] =	ssyncadd.s32 $0xFFFFC000  }
0x63: {  	_ =	swait.ge [sflag:s18], $0x80  }
0x64: {  	[sflag:s18] =	ssyncset.done $0x0  }
0x65: {  	[sflag:s18] =	ssyncadd.s32 $0xFFFFFF80  }
0x66: {  	[hbm4b:s19+s2] =	stream.linear.scatter [tilespmem:s7], [sflag:$0x2], $0x10000, $0x38;
	[tilespmem:$0x10400] =	vst v63  }
0x67: {  	_ =	swait.ge [sflag:s3], $0x10000  }
.Ltmp1:
0x68: {  	[sflag:s3] =	ssyncset.done $0x0;
	(pc) =	sbr.rel @p0 .LBB2_1-.Ltmp1, $4  }
0x69: {  	[sflag:s3] =	ssyncadd.s32 $0xFFFF0000  }
0x6a: {  	[hbm4b:s20+s2] =	stream.linear.scatter [tilespmem:s9], [sflag:$0x2], $0x200, $0x38;
	[tilespmem:$0x10400] =	vst v63  }
0x6b: {  	_ =	swait.ge [sflag:s3], $0x200  }
0x6c: {  	[sflag:s3] =	ssyncset.done $0x0  }
.LBB2_2:
0x6d: {  	[sflag:s3] =	ssyncadd.s32 $0xFFFFFE00  }
0x6e: {  	_ =	sfence.sel $0x180000  }
0x6f: {  	[bflag:$0x0] =	sbarrier.arrive $0xFFFF  }
0x70: {  	p0 =	sne.s32 s0, $0x0;
	_ =	strace $0x90000047  }
0x71: {  	s0 =	sadd.s32 @!p0 $0x100000, s1;
	[bflag:$0x2] =	sbarrier.arrive $0xFFFF  }
0x72: {  	[sflag:s0] =	ssyncadd.tile.s32 @!p0 $0x1;
	_ =	shalt  }
.Lfunc_end2:
_tile_overlayer_lowered:
.L_overlay_start_2:
0x73: {  	(tag) =	ssettag $0x2  }
0x74: {  	s0 =	rddreg [dreg:$0x0];
	s2 =	stileid.u32  }
0x75: {  	s1 =	rddreg [dreg:$0x1];
	p0 =	sne.s32 s2, $0x0  }
0x76: {  	s3 =	rddreg [dreg:$0x2];
	[bflag:$0x3] =	sbarrier.arrive $0xFFFF;
	s2 =	simm.s32 @!p0 $0x1C02  }
0x77: {  	[timem:s3], [sflag:s2] =	dma.local @!p0 [hbm:s0], s1  }
0x78: {  	s0 =	simm.s32 @!p0 $0x2  }
0x79: {  	_ =	swait.ge @!p0 [sflag:s0], s1  }
0x7a: {  	s1 =	ssub.s32 @!p0 $0x0, s1;
	[sflag:s0] =	ssyncset.done @!p0 $0x0  }
0x7b: {  	[sflag:s0] =	ssyncadd.s32 @!p0 s1  }
0x7c: {  	[bflag:$0x3] =	sbarrier.arrive $0xFFFF  }
0x7d: {  	_ =	shalt  }

</sc_bundles>
